<compile_context>
chip_gen: v7x
topology: tpu7x:2x2x1
jax: 0.10.2.dev20260603
libtpu: 0.0.44.dev20260713+nightly
codegen_flags: <defaults>
</compile_context>

<pallas_src>
import functools

import jax
import jax.numpy as jnp
from jax import lax
from jax.experimental import pallas as pl
from jax.experimental.pallas import tpu as pltpu
from jax.experimental.pallas import tpu_sc as plsc

NN = 10000
EE = 320000
HID = 256
HH = 128
NG = 256

NSUB = 16
EPT = EE // NSUB
EK = 80
NIT = EPT // EK

ROWB = 400
NTILE = 624
NREM = NN - NSUB * NTILE

_mesh = plsc.VectorSubcoreMesh(core_axis_name="c", subcore_axis_name="s")


def _sc_mp_body(src2_hbm, dst_hbm, y2_hbm, zero_hbm,
                out_hbm, sidx, didx, rows, acc, sem):
    c = lax.axis_index("c")
    s = lax.axis_index("s")

    pltpu.sync_copy(zero_hbm.at[pl.ds(s * NTILE, NTILE)],
                    acc.at[pl.ds(s * NTILE, NTILE)])

    @pl.when(s == 0)
    def _():
        pltpu.sync_copy(zero_hbm.at[pl.ds(NSUB * NTILE, NREM)],
                        acc.at[pl.ds(NSUB * NTILE, NREM)])

    plsc.subcore_barrier()

    def step(i, carry):
        base = pl.multiple_of(s * EPT + i * EK, 8)
        sbase = pl.multiple_of(c * EE + base, 8)
        pltpu.sync_copy(src2_hbm.at[pl.ds(sbase, EK)], sidx)
        pltpu.sync_copy(dst_hbm.at[pl.ds(base, EK)], didx)
        pltpu.async_copy(y2_hbm.at[sidx], rows, sem).wait()
        pltpu.sync_copy(rows, acc.at[didx], add=True)
        return carry

    lax.fori_loop(0, NIT, step, 0)
    plsc.subcore_barrier()

    obase = pl.multiple_of(c * NN + s * NTILE, 8)
    pltpu.sync_copy(acc.at[pl.ds(s * NTILE, NTILE)],
                    out_hbm.at[pl.ds(obase, NTILE)])

    @pl.when(s == 0)
    def _():
        tbase = pl.multiple_of(c * NN + NSUB * NTILE, 8)
        pltpu.sync_copy(acc.at[pl.ds(NSUB * NTILE, NREM)],
                        out_hbm.at[pl.ds(tbase, NREM)])


_sc_mp = pl.kernel(
    _sc_mp_body, mesh=_mesh,
    out_type=jax.ShapeDtypeStruct((2 * NN, HH), jnp.float32),
    scratch_types=[pltpu.VMEM((EK,), jnp.int32),
                   pltpu.VMEM((EK,), jnp.int32),
                   pltpu.VMEM((EK, HH), jnp.float32),
                   pltpu.VMEM_SHARED((NN, HH), jnp.float32),
                   pltpu.SemaphoreType.DMA],
)


def _mm_scale_body(h_ref, w_ref, deg_ref, y2_ref):
    dinv = lax.rsqrt(deg_ref[:, 0:1] + 1.0)
    y = jnp.dot(h_ref[...], w_ref[...], preferred_element_type=jnp.float32)
    y2_ref[...] = y * dinv


def _mm_scale(h, w, deg16):
    din = h.shape[1]
    nb = NN // ROWB
    return pl.pallas_call(
        _mm_scale_body,
        grid=(2, nb),
        in_specs=[pl.BlockSpec((ROWB, din), lambda k, i: (i, 0)),
                  pl.BlockSpec((din, HH), lambda k, i: (0, k)),
                  pl.BlockSpec((ROWB, 16), lambda k, i: (i, 0))],
        out_specs=pl.BlockSpec((ROWB, HH), lambda k, i: (k * nb + i, 0)),
        out_shape=jax.ShapeDtypeStruct((2 * NN, HH), jnp.float32),
    )(h, w, deg16)


def _combine_body(alo_ref, ahi_ref, ylo_ref, yhi_ref, deg_ref, b_ref, o_ref):
    dinv = lax.rsqrt(deg_ref[:, 0:1] + 1.0)
    lo = (alo_ref[...] + ylo_ref[...]) * dinv + b_ref[:, :HH]
    hi = (ahi_ref[...] + yhi_ref[...]) * dinv + b_ref[:, HH:]
    o_ref[...] = jnp.maximum(jnp.concatenate([lo, hi], axis=1), 0.0)


def _combine(acc2, y2, deg16, b2d):
    nb = NN // ROWB
    return pl.pallas_call(
        _combine_body,
        grid=(nb,),
        in_specs=[pl.BlockSpec((ROWB, HH), lambda i: (i, 0)),
                  pl.BlockSpec((ROWB, HH), lambda i: (nb + i, 0)),
                  pl.BlockSpec((ROWB, HH), lambda i: (i, 0)),
                  pl.BlockSpec((ROWB, HH), lambda i: (nb + i, 0)),
                  pl.BlockSpec((ROWB, 16), lambda i: (i, 0)),
                  pl.BlockSpec((1, HID), lambda i: (0, 0))],
        out_specs=pl.BlockSpec((ROWB, HID), lambda i: (i, 0)),
        out_shape=jax.ShapeDtypeStruct((NN, HID), jnp.float32),
    )(acc2, acc2, y2, y2, deg16, b2d)


def _pool_body(h_ref, b_ref, sums_ref, cnt_ref):
    @pl.when(pl.program_id(0) == 0)
    def _():
        sums_ref[...] = jnp.zeros_like(sums_ref)
        cnt_ref[...] = jnp.zeros_like(cnt_ref)

    seg = b_ref[:, 0]
    gid = lax.broadcasted_iota(jnp.int32, (NG, ROWB), 0)
    onehot = (gid == seg[None, :]).astype(jnp.float32)
    sums_ref[...] += jnp.dot(onehot, h_ref[...],
                             preferred_element_type=jnp.float32)
    cnt = jnp.sum(onehot, axis=1, keepdims=True)
    cnt_ref[...] += jnp.broadcast_to(cnt, (NG, 16))


def _pool(h, batch2d):
    return pl.pallas_call(
        _pool_body,
        grid=(NN // ROWB,),
        in_specs=[pl.BlockSpec((ROWB, HID), lambda i: (i, 0)),
                  pl.BlockSpec((ROWB, 1), lambda i: (i, 0))],
        out_specs=[pl.BlockSpec((NG, HID), lambda i: (0, 0)),
                   pl.BlockSpec((NG, 16), lambda i: (0, 0))],
        out_shape=[jax.ShapeDtypeStruct((NG, HID), jnp.float32),
                   jax.ShapeDtypeStruct((NG, 16), jnp.float32)],
    )(h, batch2d)


def _head_body(s_ref, c_ref, w1_ref, b1_ref, w2_ref, b2_ref, o_ref):
    pooled = s_ref[...] / jnp.maximum(c_ref[:, 0:1], 1.0)
    hh = jnp.maximum(
        jnp.dot(pooled, w1_ref[...], preferred_element_type=jnp.float32)
        + b1_ref[...], 0.0)
    o_ref[...] = (jnp.dot(hh, w2_ref[...], preferred_element_type=jnp.float32)
                  + b2_ref[...])


def _head(sums, cnt16, w1, b1, w2, b2):
    return pl.pallas_call(
        _head_body,
        out_shape=jax.ShapeDtypeStruct((NG, 1), jnp.float32),
    )(sums, cnt16, w1, b1, w2, b2)


def kernel(x, edge_index, batch, W1, b1, W2, b2, W3, b3,
           lin1_W, lin1_b, lin2_W, lin2_b):
    src = edge_index[0]
    dst = edge_index[1]
    src2 = jnp.concatenate([src, src + NN])
    zeros128 = jnp.zeros((NN, HH), jnp.float32)
    ones2n = jnp.ones((2 * NN, HH), jnp.float32)

    deg16 = _sc_mp(src2, dst, ones2n, zeros128)[:NN, :16]

    h = x
    for w, b in ((W1, b1), (W2, b2), (W3, b3)):
        y2 = _mm_scale(h, w, deg16)
        acc2 = _sc_mp(src2, dst, y2, zeros128)
        h = _combine(acc2, y2, deg16, b.reshape(1, HID))

    sums, cnt16 = _pool(h, batch.reshape(NN, 1))
    out = _head(sums, cnt16, lin1_W, lin1_b.reshape(1, HID),
                lin2_W, lin2_b.reshape(1, 1))
    return out.reshape(-1)

# --- scband reference (transcript-rebuilt; emitter-appended) ---
"""Pipeline reference for scband-solubility-gnn-40321152975416 (READ-ONLY COPY).

The authoritative reference and input builder live on the scoring server;
editing this copy changes nothing except your own understanding.
"""

import jax, jax.numpy as jnp
import numpy as np

N = 10000
E = 320000
D = 128
H = 256
G = 256


def setup_inputs(seed: int = 0) -> dict:
    key = jax.random.key(seed)
    ks = jax.random.split(key, 14)
    x = jax.random.normal(ks[0], (N, D), dtype=jnp.float32)
    edge_index = jax.random.randint(ks[1], (2, E), 0, N, dtype=jnp.int32)
    batch = jnp.sort(jax.random.randint(ks[2], (N,), 0, G, dtype=jnp.int32))
    sD = 1.0 / np.sqrt(D)
    sH = 1.0 / np.sqrt(H)
    W1 = jax.random.normal(ks[3], (D, H), dtype=jnp.float32) * sD
    b1 = jnp.zeros((H,), dtype=jnp.float32)
    W2 = jax.random.normal(ks[4], (H, H), dtype=jnp.float32) * sH
    b2 = jnp.zeros((H,), dtype=jnp.float32)
    W3 = jax.random.normal(ks[5], (H, H), dtype=jnp.float32) * sH
    b3 = jnp.zeros((H,), dtype=jnp.float32)
    lin1_W = jax.random.normal(ks[6], (H, H), dtype=jnp.float32) * sH
    lin1_b = jax.random.normal(ks[7], (H,), dtype=jnp.float32) * sH
    lin2_W = jax.random.normal(ks[8], (H, 1), dtype=jnp.float32) * sH
    lin2_b = jax.random.normal(ks[9], (1,), dtype=jnp.float32) * sH
    return {"x": x, "edge_index": edge_index, "batch": batch,
            "W1": W1, "b1": b1, "W2": W2, "b2": b2, "W3": W3, "b3": b3,
            "lin1_W": lin1_W, "lin1_b": lin1_b, "lin2_W": lin2_W, "lin2_b": lin2_b}


def gcn_conv(x, W, b, src, dst, num_nodes):
    xw = x @ W
    loop = jnp.arange(num_nodes, dtype=src.dtype)
    s = jnp.concatenate([src, loop])
    d = jnp.concatenate([dst, loop])
    deg = jax.ops.segment_sum(jnp.ones(s.shape[0], dtype=jnp.float32), d, num_segments=num_nodes)
    dinv = jnp.where(deg > 0.0, jax.lax.rsqrt(jnp.maximum(deg, 1e-12)), 0.0)
    norm = dinv[s] * dinv[d]
    msg = jnp.take(xw, s, axis=0) * norm[:, None]
    out = jax.ops.segment_sum(msg, d, num_segments=num_nodes)
    return out + b


def reference(x, edge_index, batch, W1, b1, W2, b2, W3, b3, lin1_W, lin1_b, lin2_W, lin2_b):
    src = edge_index[0]
    dst = edge_index[1]
    h = jax.nn.relu(gcn_conv(x, W1, b1, src, dst, N))
    h = jax.nn.relu(gcn_conv(h, W2, b2, src, dst, N))
    h = jax.nn.relu(gcn_conv(h, W3, b3, src, dst, N))
    sums = jax.ops.segment_sum(h, batch, num_segments=G)
    counts = jax.ops.segment_sum(jnp.ones((N,), dtype=jnp.float32), batch, num_segments=G)
    pooled = sums / jnp.maximum(counts, 1.0)[:, None]
    hh = jax.nn.relu(pooled @ lin1_W + lin1_b)
    out = hh @ lin2_W + lin2_b
    return out.reshape(-1)

if __name__ == "__main__":
    import jax
    _d = setup_inputs()
    print(jax.jit(kernel)(*tuple(_d.values())))

</pallas_src>

<mosaic_0001>
#map = affine_map<(d0, d1) -> (0)>
#map1 = affine_map<(d0, d1) -> (0, 0)>
module attributes {stable_mosaic.version = 14 : i64} {
  func.func @_sc_mp_body(%arg0: i32, %arg1: i32, %arg2: memref<640000xi32, #tpu.memory_space<hbm>>, %arg3: memref<320000xi32, #tpu.memory_space<hbm>>, %arg4: memref<20000x128xf32, #tpu.memory_space<hbm>>, %arg5: memref<10000x128xf32, #tpu.memory_space<hbm>>, %arg6: memref<20000x128xf32, #tpu.memory_space<hbm>>, %arg7: memref<80xi32, #tpu.memory_space<vmem>>, %arg8: memref<80xi32, #tpu.memory_space<vmem>>, %arg9: memref<80x128xf32, #tpu.memory_space<vmem>>, %arg10: memref<10000x128xf32, #tpu.memory_space<vmem_shared>>, %arg11: memref<!tpu.dma_semaphore, #tpu.memory_space<semaphore_mem>>) attributes {dimension_semantics = [#tpu.dimension_semantics<core_parallel>, #tpu.dimension_semantics<subcore_parallel>], iteration_bounds = array<i64: 2, 16>, scalar_prefetch = 0 : i64, scratch_operands = 5 : i64, tpu.core_type = #tpu.core_type<sc_vector_subcore>, window_params = [{transform_indices = #map}, {transform_indices = #map}, {transform_indices = #map1}, {transform_indices = #map1}, {transform_indices = #map1}]} {
    %mul3A = arith.constant 624 : i32
    %mul3A_0 = arith.muli %arg1, %mul3A : i32
    %mul3A_1 = arith.constant 624 : i32
    %mul3A_2 = arith.muli %arg1, %mul3A_1 : i32
    "tpu.region"() ({
      %run_scoped3A = tpu.sem_alloc : memref<!tpu.dma_semaphore, #tpu.memory_space<semaphore_mem>>
      %dma_start3A = arith.constant 0 : i32
      %dma_start3A_22 = tpu.memref_slice %arg10[%mul3A_2, %dma_start3A] : memref<10000x128xf32, #tpu.memory_space<vmem_shared>> -> memref<624x128xf32, #tpu.memory_space<vmem_shared>>
      %dma_start3A_23 = arith.constant 0 : i32
      %dma_start3A_24 = tpu.memref_slice %arg5[%mul3A_0, %dma_start3A_23] : memref<10000x128xf32, #tpu.memory_space<hbm>> -> memref<624x128xf32, #tpu.memory_space<hbm>>
      tpu.enqueue_dma source(%dma_start3A_24 : memref<624x128xf32, #tpu.memory_space<hbm>>) target(%dma_start3A_22 : memref<624x128xf32, #tpu.memory_space<vmem_shared>>) target_semaphore(%run_scoped3A : memref<!tpu.dma_semaphore, #tpu.memory_space<semaphore_mem>>)
      %dma_wait3A = arith.constant 0 : i32
      %dma_wait3A_25 = tpu.memref_slice %arg10[%mul3A_2, %dma_wait3A] : memref<10000x128xf32, #tpu.memory_space<vmem_shared>> -> memref<624x128xf32, #tpu.memory_space<vmem_shared>>
      %dma_wait3A_26 = arith.constant 0 : i32
      %dma_wait3A_27 = tpu.memref_slice %arg5[%mul3A_0, %dma_wait3A_26] : memref<10000x128xf32, #tpu.memory_space<hbm>> -> memref<624x128xf32, #tpu.memory_space<hbm>>
      tpu.wait_dma2 semaphore(%run_scoped3A : memref<!tpu.dma_semaphore, #tpu.memory_space<semaphore_mem>>) src(%dma_wait3A_27 : memref<624x128xf32, #tpu.memory_space<hbm>>) dst(%dma_wait3A_25 : memref<624x128xf32, #tpu.memory_space<vmem_shared>>)
      tpu.yield
    }) : () -> ()
    %eq3A = arith.constant 0 : i32
    %eq3A_3 = arith.cmpi eq, %arg1, %eq3A : i32
    %convert_element_type3A = arith.extui %eq3A_3 : i1 to i32
    %cond3A = arith.constant 0 : i32
    %cond3A_4 = arith.cmpi ne, %convert_element_type3A, %cond3A : i32
    scf.if %cond3A_4 {
      "tpu.region"() ({
        %run_scoped3A = tpu.sem_alloc : memref<!tpu.dma_semaphore, #tpu.memory_space<semaphore_mem>>
        %dma_start3A = arith.constant 9984 : i32
        %dma_start3A_22 = arith.constant 0 : i32
        %dma_start3A_23 = tpu.memref_slice %arg10[%dma_start3A, %dma_start3A_22] : memref<10000x128xf32, #tpu.memory_space<vmem_shared>> -> memref<16x128xf32, #tpu.memory_space<vmem_shared>>
        %dma_start3A_24 = arith.constant 9984 : i32
        %dma_start3A_25 = arith.constant 0 : i32
        %dma_start3A_26 = tpu.memref_slice %arg5[%dma_start3A_24, %dma_start3A_25] : memref<10000x128xf32, #tpu.memory_space<hbm>> -> memref<16x128xf32, #tpu.memory_space<hbm>>
        tpu.enqueue_dma source(%dma_start3A_26 : memref<16x128xf32, #tpu.memory_space<hbm>>) target(%dma_start3A_23 : memref<16x128xf32, #tpu.memory_space<vmem_shared>>) target_semaphore(%run_scoped3A : memref<!tpu.dma_semaphore, #tpu.memory_space<semaphore_mem>>)
        %dma_wait3A = arith.constant 9984 : i32
        %dma_wait3A_27 = arith.constant 0 : i32
        %dma_wait3A_28 = tpu.memref_slice %arg10[%dma_wait3A, %dma_wait3A_27] : memref<10000x128xf32, #tpu.memory_space<vmem_shared>> -> memref<16x128xf32, #tpu.memory_space<vmem_shared>>
        %dma_wait3A_29 = arith.constant 9984 : i32
        %dma_wait3A_30 = arith.constant 0 : i32
        %dma_wait3A_31 = tpu.memref_slice %arg5[%dma_wait3A_29, %dma_wait3A_30] : memref<10000x128xf32, #tpu.memory_space<hbm>> -> memref<16x128xf32, #tpu.memory_space<hbm>>
        tpu.wait_dma2 semaphore(%run_scoped3A : memref<!tpu.dma_semaphore, #tpu.memory_space<semaphore_mem>>) src(%dma_wait3A_31 : memref<16x128xf32, #tpu.memory_space<hbm>>) dst(%dma_wait3A_28 : memref<16x128xf32, #tpu.memory_space<vmem_shared>>)
        tpu.yield
      }) : () -> ()
    } else {
    }
    %barrier3A = arith.constant 0 : index
    tpu.barrier barrier_id(%barrier3A)
    %scan3A = arith.constant 0 : i32
    %scan3A_5 = arith.constant 0 : i32
    %scan3A_6 = arith.constant 250 : i32
    %scan3A_7 = arith.addi %scan3A_5, %scan3A_6 : i32
    %scan3A_8 = arith.constant 1 : i32
    scf.for %scan3A_22 = %scan3A_5 to %scan3A_7 step %scan3A_8  : i32 {
      %mul3A_23 = arith.constant 20000 : i32
      %mul3A_24 = arith.muli %arg1, %mul3A_23 : i32
      %mul3A_25 = arith.constant 80 : i32
      %mul3A_26 = arith.muli %scan3A_22, %mul3A_25 : i32
      %add3A_27 = arith.addi %mul3A_24, %mul3A_26 : i32
      %multiple_of3A_28 = tpu.assume_multiple %add3A_27, 8 : i32
      %mul3A_29 = arith.constant 320000 : i32
      %mul3A_30 = arith.muli %arg0, %mul3A_29 : i32
      %add3A_31 = arith.addi %mul3A_30, %multiple_of3A_28 : i32
      %multiple_of3A_32 = tpu.assume_multiple %add3A_31, 8 : i32
      "tpu.region"() ({
        %run_scoped3A = tpu.sem_alloc : memref<!tpu.dma_semaphore, #tpu.memory_space<semaphore_mem>>
        %dma_start3A_37 = tpu.memref_slice %arg2[%multiple_of3A_32] : memref<640000xi32, #tpu.memory_space<hbm>> -> memref<80xi32, #tpu.memory_space<hbm>>
        %dma_start3A_38 = tpu.memref_slice %arg2[%multiple_of3A_32] : memref<640000xi32, #tpu.memory_space<hbm>> -> memref<80xi32, #tpu.memory_space<hbm>>
        tpu.enqueue_dma source(%dma_start3A_38 : memref<80xi32, #tpu.memory_space<hbm>>) target(%arg7 : memref<80xi32, #tpu.memory_space<vmem>>) target_semaphore(%run_scoped3A : memref<!tpu.dma_semaphore, #tpu.memory_space<semaphore_mem>>)
        %dma_wait3A_39 = tpu.memref_slice %arg2[%multiple_of3A_32] : memref<640000xi32, #tpu.memory_space<hbm>> -> memref<80xi32, #tpu.memory_space<hbm>>
        %dma_wait3A_40 = tpu.memref_slice %arg2[%multiple_of3A_32] : memref<640000xi32, #tpu.memory_space<hbm>> -> memref<80xi32, #tpu.memory_space<hbm>>
        tpu.wait_dma2 semaphore(%run_scoped3A : memref<!tpu.dma_semaphore, #tpu.memory_space<semaphore_mem>>) src(%dma_wait3A_40 : memref<80xi32, #tpu.memory_space<hbm>>) dst(%arg7 : memref<80xi32, #tpu.memory_space<vmem>>)
        tpu.yield
      }) : () -> ()
      "tpu.region"() ({
        %run_scoped3A = tpu.sem_alloc : memref<!tpu.dma_semaphore, #tpu.memory_space<semaphore_mem>>
        %dma_start3A_37 = tpu.memref_slice %arg3[%multiple_of3A_28] : memref<320000xi32, #tpu.memory_space<hbm>> -> memref<80xi32, #tpu.memory_space<hbm>>
        %dma_start3A_38 = tpu.memref_slice %arg3[%multiple_of3A_28] : memref<320000xi32, #tpu.memory_space<hbm>> -> memref<80xi32, #tpu.memory_space<hbm>>
        tpu.enqueue_dma source(%dma_start3A_38 : memref<80xi32, #tpu.memory_space<hbm>>) target(%arg8 : memref<80xi32, #tpu.memory_space<vmem>>) target_semaphore(%run_scoped3A : memref<!tpu.dma_semaphore, #tpu.memory_space<semaphore_mem>>)
        %dma_wait3A_39 = tpu.memref_slice %arg3[%multiple_of3A_28] : memref<320000xi32, #tpu.memory_space<hbm>> -> memref<80xi32, #tpu.memory_space<hbm>>
        %dma_wait3A_40 = tpu.memref_slice %arg3[%multiple_of3A_28] : memref<320000xi32, #tpu.memory_space<hbm>> -> memref<80xi32, #tpu.memory_space<hbm>>
        tpu.wait_dma2 semaphore(%run_scoped3A : memref<!tpu.dma_semaphore, #tpu.memory_space<semaphore_mem>>) src(%dma_wait3A_40 : memref<80xi32, #tpu.memory_space<hbm>>) dst(%arg8 : memref<80xi32, #tpu.memory_space<vmem>>)
        tpu.yield
      }) : () -> ()
      %dma_start3A = arith.constant 0 : i32
      %dma_start3A_33 = arith.constant 0 : i32
      %dma_start3A_34 = tpu.memref_slice %arg4[%dma_start3A, %dma_start3A_33] : memref<20000x128xf32, #tpu.memory_space<hbm>> -> memref<20000x128xf32, #tpu.memory_space<hbm>>
      tpu.enqueue_indirect_dma source(%dma_start3A_34 : memref<20000x128xf32, #tpu.memory_space<hbm>>) target(%arg9 : memref<80x128xf32, #tpu.memory_space<vmem>>) offsets(%arg7 : memref<80xi32, #tpu.memory_space<vmem>>) semaphore(%arg11 : memref<!tpu.dma_semaphore, #tpu.memory_space<semaphore_mem>>)
      %dma_wait3A = arith.constant 0 : i32
      %dma_wait3A_35 = arith.constant 0 : i32
      %dma_wait3A_36 = tpu.memref_slice %arg4[%dma_wait3A, %dma_wait3A_35] : memref<20000x128xf32, #tpu.memory_space<hbm>> -> memref<20000x128xf32, #tpu.memory_space<hbm>>
      tpu.wait_indirect_dma semaphore(%arg11 : memref<!tpu.dma_semaphore, #tpu.memory_space<semaphore_mem>>) src(%dma_wait3A_36 : memref<20000x128xf32, #tpu.memory_space<hbm>>) dst(%arg9 : memref<80x128xf32, #tpu.memory_space<vmem>>)
      "tpu.region"() ({
        %run_scoped3A = tpu.sem_alloc : memref<!tpu.dma_semaphore, #tpu.memory_space<semaphore_mem>>
        %dma_start3A_37 = arith.constant 0 : i32
        %dma_start3A_38 = arith.constant 0 : i32
        %dma_start3A_39 = tpu.memref_slice %arg10[%dma_start3A_37, %dma_start3A_38] : memref<10000x128xf32, #tpu.memory_space<vmem_shared>> -> memref<10000x128xf32, #tpu.memory_space<vmem_shared>>
        tpu.enqueue_indirect_dma source(%arg9 : memref<80x128xf32, #tpu.memory_space<vmem>>) target(%dma_start3A_39 : memref<10000x128xf32, #tpu.memory_space<vmem_shared>>) offsets(%arg8 : memref<80xi32, #tpu.memory_space<vmem>>) semaphore(%run_scoped3A : memref<!tpu.dma_semaphore, #tpu.memory_space<semaphore_mem>>) {add = true}
        %dma_wait3A_40 = arith.constant 0 : i32
        %dma_wait3A_41 = arith.constant 0 : i32
        %dma_wait3A_42 = tpu.memref_slice %arg10[%dma_wait3A_40, %dma_wait3A_41] : memref<10000x128xf32, #tpu.memory_space<vmem_shared>> -> memref<10000x128xf32, #tpu.memory_space<vmem_shared>>
        tpu.wait_indirect_dma semaphore(%run_scoped3A : memref<!tpu.dma_semaphore, #tpu.memory_space<semaphore_mem>>) src(%arg9 : memref<80x128xf32, #tpu.memory_space<vmem>>) dst(%dma_wait3A_42 : memref<10000x128xf32, #tpu.memory_space<vmem_shared>>)
        tpu.yield
      }) : () -> ()
    }
    %scan3A_9 = arith.constant 250 : i32
    %barrier3A_10 = arith.constant 0 : index
    tpu.barrier barrier_id(%barrier3A_10)
    %mul3A_11 = arith.constant 10000 : i32
    %mul3A_12 = arith.muli %arg0, %mul3A_11 : i32
    %mul3A_13 = arith.constant 624 : i32
    %mul3A_14 = arith.muli %arg1, %mul3A_13 : i32
    %add3A = arith.addi %mul3A_12, %mul3A_14 : i32
    %multiple_of3A = tpu.assume_multiple %add3A, 8 : i32
    %mul3A_15 = arith.constant 624 : i32
    %mul3A_16 = arith.muli %arg1, %mul3A_15 : i32
    "tpu.region"() ({
      %run_scoped3A = tpu.sem_alloc : memref<!tpu.dma_semaphore, #tpu.memory_space<semaphore_mem>>
      %dma_start3A = arith.constant 0 : i32
      %dma_start3A_22 = tpu.memref_slice %arg6[%multiple_of3A, %dma_start3A] : memref<20000x128xf32, #tpu.memory_space<hbm>> -> memref<624x128xf32, #tpu.memory_space<hbm>>
      %dma_start3A_23 = arith.constant 0 : i32
      %dma_start3A_24 = tpu.memref_slice %arg10[%mul3A_16, %dma_start3A_23] : memref<10000x128xf32, #tpu.memory_space<vmem_shared>> -> memref<624x128xf32, #tpu.memory_space<vmem_shared>>
      tpu.enqueue_dma source(%dma_start3A_24 : memref<624x128xf32, #tpu.memory_space<vmem_shared>>) target(%dma_start3A_22 : memref<624x128xf32, #tpu.memory_space<hbm>>) target_semaphore(%run_scoped3A : memref<!tpu.dma_semaphore, #tpu.memory_space<semaphore_mem>>)
      %dma_wait3A = arith.constant 0 : i32
      %dma_wait3A_25 = tpu.memref_slice %arg6[%multiple_of3A, %dma_wait3A] : memref<20000x128xf32, #tpu.memory_space<hbm>> -> memref<624x128xf32, #tpu.memory_space<hbm>>
      %dma_wait3A_26 = arith.constant 0 : i32
      %dma_wait3A_27 = tpu.memref_slice %arg10[%mul3A_16, %dma_wait3A_26] : memref<10000x128xf32, #tpu.memory_space<vmem_shared>> -> memref<624x128xf32, #tpu.memory_space<vmem_shared>>
      tpu.wait_dma2 semaphore(%run_scoped3A : memref<!tpu.dma_semaphore, #tpu.memory_space<semaphore_mem>>) src(%dma_wait3A_27 : memref<624x128xf32, #tpu.memory_space<vmem_shared>>) dst(%dma_wait3A_25 : memref<624x128xf32, #tpu.memory_space<hbm>>)
      tpu.yield
    }) : () -> ()
    %eq3A_17 = arith.constant 0 : i32
    %eq3A_18 = arith.cmpi eq, %arg1, %eq3A_17 : i32
    %convert_element_type3A_19 = arith.extui %eq3A_18 : i1 to i32
    %cond3A_20 = arith.constant 0 : i32
    %cond3A_21 = arith.cmpi ne, %convert_element_type3A_19, %cond3A_20 : i32
    scf.if %cond3A_21 {
      %mul3A_22 = arith.constant 10000 : i32
      %mul3A_23 = arith.muli %arg0, %mul3A_22 : i32
      %add3A_24 = arith.constant 9984 : i32
      %add3A_25 = arith.addi %mul3A_23, %add3A_24 : i32
      %multiple_of3A_26 = tpu.assume_multiple %add3A_25, 8 : i32
      "tpu.region"() ({
        %run_scoped3A = tpu.sem_alloc : memref<!tpu.dma_semaphore, #tpu.memory_space<semaphore_mem>>
        %dma_start3A = arith.constant 0 : i32
        %dma_start3A_27 = tpu.memref_slice %arg6[%multiple_of3A_26, %dma_start3A] : memref<20000x128xf32, #tpu.memory_space<hbm>> -> memref<16x128xf32, #tpu.memory_space<hbm>>
        %dma_start3A_28 = arith.constant 9984 : i32
        %dma_start3A_29 = arith.constant 0 : i32
        %dma_start3A_30 = tpu.memref_slice %arg10[%dma_start3A_28, %dma_start3A_29] : memref<10000x128xf32, #tpu.memory_space<vmem_shared>> -> memref<16x128xf32, #tpu.memory_space<vmem_shared>>
        tpu.enqueue_dma source(%dma_start3A_30 : memref<16x128xf32, #tpu.memory_space<vmem_shared>>) target(%dma_start3A_27 : memref<16x128xf32, #tpu.memory_space<hbm>>) target_semaphore(%run_scoped3A : memref<!tpu.dma_semaphore, #tpu.memory_space<semaphore_mem>>)
        %dma_wait3A = arith.constant 0 : i32
        %dma_wait3A_31 = tpu.memref_slice %arg6[%multiple_of3A_26, %dma_wait3A] : memref<20000x128xf32, #tpu.memory_space<hbm>> -> memref<16x128xf32, #tpu.memory_space<hbm>>
        %dma_wait3A_32 = arith.constant 9984 : i32
        %dma_wait3A_33 = arith.constant 0 : i32
        %dma_wait3A_34 = tpu.memref_slice %arg10[%dma_wait3A_32, %dma_wait3A_33] : memref<10000x128xf32, #tpu.memory_space<vmem_shared>> -> memref<16x128xf32, #tpu.memory_space<vmem_shared>>
        tpu.wait_dma2 semaphore(%run_scoped3A : memref<!tpu.dma_semaphore, #tpu.memory_space<semaphore_mem>>) src(%dma_wait3A_34 : memref<16x128xf32, #tpu.memory_space<vmem_shared>>) dst(%dma_wait3A_31 : memref<16x128xf32, #tpu.memory_space<hbm>>)
        tpu.yield
      }) : () -> ()
    } else {
    }
    return
  }
}

#map = affine_map<(d0, d1) -> (0)>
#map1 = affine_map<(d0, d1) -> (0, 0)>
module attributes {stable_mosaic.version = 14 : i64} {
  func.func @_sc_mp_body(%arg0: i32, %arg1: i32, %arg2: memref<640000xi32, #tpu.memory_space<hbm>>, %arg3: memref<320000xi32, #tpu.memory_space<hbm>>, %arg4: memref<20000x128xf32, #tpu.memory_space<hbm>>, %arg5: memref<10000x128xf32, #tpu.memory_space<hbm>>, %arg6: memref<20000x128xf32, #tpu.memory_space<hbm>>, %arg7: memref<80xi32, #tpu.memory_space<vmem>>, %arg8: memref<80xi32, #tpu.memory_space<vmem>>, %arg9: memref<80x128xf32, #tpu.memory_space<vmem>>, %arg10: memref<10000x128xf32, #tpu.memory_space<vmem_shared>>, %arg11: memref<!tpu.dma_semaphore, #tpu.memory_space<semaphore_mem>>) attributes {dimension_semantics = [#tpu.dimension_semantics<core_parallel>, #tpu.dimension_semantics<subcore_parallel>], iteration_bounds = array<i64: 2, 16>, scalar_prefetch = 0 : i64, scratch_operands = 5 : i64, tpu.core_type = #tpu.core_type<sc_vector_subcore>, window_params = [{transform_indices = #map}, {transform_indices = #map}, {transform_indices = #map1}, {transform_indices = #map1}, {transform_indices = #map1}]} {
    %mul3A = arith.constant 624 : i32
    %mul3A_0 = arith.muli %arg1, %mul3A : i32
    %mul3A_1 = arith.constant 624 : i32
    %mul3A_2 = arith.muli %arg1, %mul3A_1 : i32
    "tpu.region"() ({
      %run_scoped3A = tpu.sem_alloc : memref<!tpu.dma_semaphore, #tpu.memory_space<semaphore_mem>>
      %dma_start3A = arith.constant 0 : i32
      %dma_start3A_22 = tpu.memref_slice %arg10[%mul3A_2, %dma_start3A] : memref<10000x128xf32, #tpu.memory_space<vmem_shared>> -> memref<624x128xf32, #tpu.memory_space<vmem_shared>>
      %dma_start3A_23 = arith.constant 0 : i32
      %dma_start3A_24 = tpu.memref_slice %arg5[%mul3A_0, %dma_start3A_23] : memref<10000x128xf32, #tpu.memory_space<hbm>> -> memref<624x128xf32, #tpu.memory_space<hbm>>
      tpu.enqueue_dma source(%dma_start3A_24 : memref<624x128xf32, #tpu.memory_space<hbm>>) target(%dma_start3A_22 : memref<624x128xf32, #tpu.memory_space<vmem_shared>>) target_semaphore(%run_scoped3A : memref<!tpu.dma_semaphore, #tpu.memory_space<semaphore_mem>>)
      %dma_wait3A = arith.constant 0 : i32
      %dma_wait3A_25 = tpu.memref_slice %arg10[%mul3A_2, %dma_wait3A] : memref<10000x128xf32, #tpu.memory_space<vmem_shared>> -> memref<624x128xf32, #tpu.memory_space<vmem_shared>>
      %dma_wait3A_26 = arith.constant 0 : i32
      %dma_wait3A_27 = tpu.memref_slice %arg5[%mul3A_0, %dma_wait3A_26] : memref<10000x128xf32, #tpu.memory_space<hbm>> -> memref<624x128xf32, #tpu.memory_space<hbm>>
      tpu.wait_dma2 semaphore(%run_scoped3A : memref<!tpu.dma_semaphore, #tpu.memory_space<semaphore_mem>>) src(%dma_wait3A_27 : memref<624x128xf32, #tpu.memory_space<hbm>>) dst(%dma_wait3A_25 : memref<624x128xf32, #tpu.memory_space<vmem_shared>>)
      tpu.yield
    }) : () -> ()
    %eq3A = arith.constant 0 : i32
    %eq3A_3 = arith.cmpi eq, %arg1, %eq3A : i32
    %convert_element_type3A = arith.extui %eq3A_3 : i1 to i32
    %cond3A = arith.constant 0 : i32
    %cond3A_4 = arith.cmpi ne, %convert_element_type3A, %cond3A : i32
    scf.if %cond3A_4 {
      "tpu.region"() ({
        %run_scoped3A = tpu.sem_alloc : memref<!tpu.dma_semaphore, #tpu.memory_space<semaphore_mem>>
        %dma_start3A = arith.constant 9984 : i32
        %dma_start3A_22 = arith.constant 0 : i32
        %dma_start3A_23 = tpu.memref_slice %arg10[%dma_start3A, %dma_start3A_22] : memref<10000x128xf32, #tpu.memory_space<vmem_shared>> -> memref<16x128xf32, #tpu.memory_space<vmem_shared>>
        %dma_start3A_24 = arith.constant 9984 : i32
        %dma_start3A_25 = arith.constant 0 : i32
        %dma_start3A_26 = tpu.memref_slice %arg5[%dma_start3A_24, %dma_start3A_25] : memref<10000x128xf32, #tpu.memory_space<hbm>> -> memref<16x128xf32, #tpu.memory_space<hbm>>
        tpu.enqueue_dma source(%dma_start3A_26 : memref<16x128xf32, #tpu.memory_space<hbm>>) target(%dma_start3A_23 : memref<16x128xf32, #tpu.memory_space<vmem_shared>>) target_semaphore(%run_scoped3A : memref<!tpu.dma_semaphore, #tpu.memory_space<semaphore_mem>>)
        %dma_wait3A = arith.constant 9984 : i32
        %dma_wait3A_27 = arith.constant 0 : i32
        %dma_wait3A_28 = tpu.memref_slice %arg10[%dma_wait3A, %dma_wait3A_27] : memref<10000x128xf32, #tpu.memory_space<vmem_shared>> -> memref<16x128xf32, #tpu.memory_space<vmem_shared>>
        %dma_wait3A_29 = arith.constant 9984 : i32
        %dma_wait3A_30 = arith.constant 0 : i32
        %dma_wait3A_31 = tpu.memref_slice %arg5[%dma_wait3A_29, %dma_wait3A_30] : memref<10000x128xf32, #tpu.memory_space<hbm>> -> memref<16x128xf32, #tpu.memory_space<hbm>>
        tpu.wait_dma2 semaphore(%run_scoped3A : memref<!tpu.dma_semaphore, #tpu.memory_space<semaphore_mem>>) src(%dma_wait3A_31 : memref<16x128xf32, #tpu.memory_space<hbm>>) dst(%dma_wait3A_28 : memref<16x128xf32, #tpu.memory_space<vmem_shared>>)
        tpu.yield
      }) : () -> ()
    } else {
    }
    %barrier3A = arith.constant 0 : index
    tpu.barrier barrier_id(%barrier3A)
    %scan3A = arith.constant 0 : i32
    %scan3A_5 = arith.constant 0 : i32
    %scan3A_6 = arith.constant 250 : i32
    %scan3A_7 = arith.addi %scan3A_5, %scan3A_6 : i32
    %scan3A_8 = arith.constant 1 : i32
    scf.for %scan3A_22 = %scan3A_5 to %scan3A_7 step %scan3A_8  : i32 {
      %mul3A_23 = arith.constant 20000 : i32
      %mul3A_24 = arith.muli %arg1, %mul3A_23 : i32
      %mul3A_25 = arith.constant 80 : i32
      %mul3A_26 = arith.muli %scan3A_22, %mul3A_25 : i32
      %add3A_27 = arith.addi %mul3A_24, %mul3A_26 : i32
      %multiple_of3A_28 = tpu.assume_multiple %add3A_27, 8 : i32
      %mul3A_29 = arith.constant 320000 : i32
      %mul3A_30 = arith.muli %arg0, %mul3A_29 : i32
      %add3A_31 = arith.addi %mul3A_30, %multiple_of3A_28 : i32
      %multiple_of3A_32 = tpu.assume_multiple %add3A_31, 8 : i32
      "tpu.region"() ({
        %run_scoped3A = tpu.sem_alloc : memref<!tpu.dma_semaphore, #tpu.memory_space<semaphore_mem>>
        %dma_start3A_37 = tpu.memref_slice %arg2[%multiple_of3A_32] : memref<640000xi32, #tpu.memory_space<hbm>> -> memref<80xi32, #tpu.memory_space<hbm>>
        %dma_start3A_38 = tpu.memref_slice %arg2[%multiple_of3A_32] : memref<640000xi32, #tpu.memory_space<hbm>> -> memref<80xi32, #tpu.memory_space<hbm>>
        tpu.enqueue_dma source(%dma_start3A_38 : memref<80xi32, #tpu.memory_space<hbm>>) target(%arg7 : memref<80xi32, #tpu.memory_space<vmem>>) target_semaphore(%run_scoped3A : memref<!tpu.dma_semaphore, #tpu.memory_space<semaphore_mem>>)
        %dma_wait3A_39 = tpu.memref_slice %arg2[%multiple_of3A_32] : memref<640000xi32, #tpu.memory_space<hbm>> -> memref<80xi32, #tpu.memory_space<hbm>>
        %dma_wait3A_40 = tpu.memref_slice %arg2[%multiple_of3A_32] : memref<640000xi32, #tpu.memory_space<hbm>> -> memref<80xi32, #tpu.memory_space<hbm>>
        tpu.wait_dma2 semaphore(%run_scoped3A : memref<!tpu.dma_semaphore, #tpu.memory_space<semaphore_mem>>) src(%dma_wait3A_40 : memref<80xi32, #tpu.memory_space<hbm>>) dst(%arg7 : memref<80xi32, #tpu.memory_space<vmem>>)
        tpu.yield
      }) : () -> ()
      "tpu.region"() ({
        %run_scoped3A = tpu.sem_alloc : memref<!tpu.dma_semaphore, #tpu.memory_space<semaphore_mem>>
        %dma_start3A_37 = tpu.memref_slice %arg3[%multiple_of3A_28] : memref<320000xi32, #tpu.memory_space<hbm>> -> memref<80xi32, #tpu.memory_space<hbm>>
        %dma_start3A_38 = tpu.memref_slice %arg3[%multiple_of3A_28] : memref<320000xi32, #tpu.memory_space<hbm>> -> memref<80xi32, #tpu.memory_space<hbm>>
        tpu.enqueue_dma source(%dma_start3A_38 : memref<80xi32, #tpu.memory_space<hbm>>) target(%arg8 : memref<80xi32, #tpu.memory_space<vmem>>) target_semaphore(%run_scoped3A : memref<!tpu.dma_semaphore, #tpu.memory_space<semaphore_mem>>)
        %dma_wait3A_39 = tpu.memref_slice %arg3[%multiple_of3A_28] : memref<320000xi32, #tpu.memory_space<hbm>> -> memref<80xi32, #tpu.memory_space<hbm>>
        %dma_wait3A_40 = tpu.memref_slice %arg3[%multiple_of3A_28] : memref<320000xi32, #tpu.memory_space<hbm>> -> memref<80xi32, #tpu.memory_space<hbm>>
        tpu.wait_dma2 semaphore(%run_scoped3A : memref<!tpu.dma_semaphore, #tpu.memory_space<semaphore_mem>>) src(%dma_wait3A_40 : memref<80xi32, #tpu.memory_space<hbm>>) dst(%arg8 : memref<80xi32, #tpu.memory_space<vmem>>)
        tpu.yield
      }) : () -> ()
      %dma_start3A = arith.constant 0 : i32
      %dma_start3A_33 = arith.constant 0 : i32
      %dma_start3A_34 = tpu.memref_slice %arg4[%dma_start3A, %dma_start3A_33] : memref<20000x128xf32, #tpu.memory_space<hbm>> -> memref<20000x128xf32, #tpu.memory_space<hbm>>
      tpu.enqueue_indirect_dma source(%dma_start3A_34 : memref<20000x128xf32, #tpu.memory_space<hbm>>) target(%arg9 : memref<80x128xf32, #tpu.memory_space<vmem>>) offsets(%arg7 : memref<80xi32, #tpu.memory_space<vmem>>) semaphore(%arg11 : memref<!tpu.dma_semaphore, #tpu.memory_space<semaphore_mem>>)
      %dma_wait3A = arith.constant 0 : i32
      %dma_wait3A_35 = arith.constant 0 : i32
      %dma_wait3A_36 = tpu.memref_slice %arg4[%dma_wait3A, %dma_wait3A_35] : memref<20000x128xf32, #tpu.memory_space<hbm>> -> memref<20000x128xf32, #tpu.memory_space<hbm>>
      tpu.wait_indirect_dma semaphore(%arg11 : memref<!tpu.dma_semaphore, #tpu.memory_space<semaphore_mem>>) src(%dma_wait3A_36 : memref<20000x128xf32, #tpu.memory_space<hbm>>) dst(%arg9 : memref<80x128xf32, #tpu.memory_space<vmem>>)
      "tpu.region"() ({
        %run_scoped3A = tpu.sem_alloc : memref<!tpu.dma_semaphore, #tpu.memory_space<semaphore_mem>>
        %dma_start3A_37 = arith.constant 0 : i32
        %dma_start3A_38 = arith.constant 0 : i32
        %dma_start3A_39 = tpu.memref_slice %arg10[%dma_start3A_37, %dma_start3A_38] : memref<10000x128xf32, #tpu.memory_space<vmem_shared>> -> memref<10000x128xf32, #tpu.memory_space<vmem_shared>>
        tpu.enqueue_indirect_dma source(%arg9 : memref<80x128xf32, #tpu.memory_space<vmem>>) target(%dma_start3A_39 : memref<10000x128xf32, #tpu.memory_space<vmem_shared>>) offsets(%arg8 : memref<80xi32, #tpu.memory_space<vmem>>) semaphore(%run_scoped3A : memref<!tpu.dma_semaphore, #tpu.memory_space<semaphore_mem>>) {add = true}
        %dma_wait3A_40 = arith.constant 0 : i32
        %dma_wait3A_41 = arith.constant 0 : i32
        %dma_wait3A_42 = tpu.memref_slice %arg10[%dma_wait3A_40, %dma_wait3A_41] : memref<10000x128xf32, #tpu.memory_space<vmem_shared>> -> memref<10000x128xf32, #tpu.memory_space<vmem_shared>>
        tpu.wait_indirect_dma semaphore(%run_scoped3A : memref<!tpu.dma_semaphore, #tpu.memory_space<semaphore_mem>>) src(%arg9 : memref<80x128xf32, #tpu.memory_space<vmem>>) dst(%dma_wait3A_42 : memref<10000x128xf32, #tpu.memory_space<vmem_shared>>)
        tpu.yield
      }) : () -> ()
    }
    %scan3A_9 = arith.constant 250 : i32
    %barrier3A_10 = arith.constant 0 : index
    tpu.barrier barrier_id(%barrier3A_10)
    %mul3A_11 = arith.constant 10000 : i32
    %mul3A_12 = arith.muli %arg0, %mul3A_11 : i32
    %mul3A_13 = arith.constant 624 : i32
    %mul3A_14 = arith.muli %arg1, %mul3A_13 : i32
    %add3A = arith.addi %mul3A_12, %mul3A_14 : i32
    %multiple_of3A = tpu.assume_multiple %add3A, 8 : i32
    %mul3A_15 = arith.constant 624 : i32
    %mul3A_16 = arith.muli %arg1, %mul3A_15 : i32
    "tpu.region"() ({
      %run_scoped3A = tpu.sem_alloc : memref<!tpu.dma_semaphore, #tpu.memory_space<semaphore_mem>>
      %dma_start3A = arith.constant 0 : i32
      %dma_start3A_22 = tpu.memref_slice %arg6[%multiple_of3A, %dma_start3A] : memref<20000x128xf32, #tpu.memory_space<hbm>> -> memref<624x128xf32, #tpu.memory_space<hbm>>
      %dma_start3A_23 = arith.constant 0 : i32
      %dma_start3A_24 = tpu.memref_slice %arg10[%mul3A_16, %dma_start3A_23] : memref<10000x128xf32, #tpu.memory_space<vmem_shared>> -> memref<624x128xf32, #tpu.memory_space<vmem_shared>>
      tpu.enqueue_dma source(%dma_start3A_24 : memref<624x128xf32, #tpu.memory_space<vmem_shared>>) target(%dma_start3A_22 : memref<624x128xf32, #tpu.memory_space<hbm>>) target_semaphore(%run_scoped3A : memref<!tpu.dma_semaphore, #tpu.memory_space<semaphore_mem>>)
      %dma_wait3A = arith.constant 0 : i32
      %dma_wait3A_25 = tpu.memref_slice %arg6[%multiple_of3A, %dma_wait3A] : memref<20000x128xf32, #tpu.memory_space<hbm>> -> memref<624x128xf32, #tpu.memory_space<hbm>>
      %dma_wait3A_26 = arith.constant 0 : i32
      %dma_wait3A_27 = tpu.memref_slice %arg10[%mul3A_16, %dma_wait3A_26] : memref<10000x128xf32, #tpu.memory_space<vmem_shared>> -> memref<624x128xf32, #tpu.memory_space<vmem_shared>>
      tpu.wait_dma2 semaphore(%run_scoped3A : memref<!tpu.dma_semaphore, #tpu.memory_space<semaphore_mem>>) src(%dma_wait3A_27 : memref<624x128xf32, #tpu.memory_space<vmem_shared>>) dst(%dma_wait3A_25 : memref<624x128xf32, #tpu.memory_space<hbm>>)
      tpu.yield
    }) : () -> ()
    %eq3A_17 = arith.constant 0 : i32
    %eq3A_18 = arith.cmpi eq, %arg1, %eq3A_17 : i32
    %convert_element_type3A_19 = arith.extui %eq3A_18 : i1 to i32
    %cond3A_20 = arith.constant 0 : i32
    %cond3A_21 = arith.cmpi ne, %convert_element_type3A_19, %cond3A_20 : i32
    scf.if %cond3A_21 {
      %mul3A_22 = arith.constant 10000 : i32
      %mul3A_23 = arith.muli %arg0, %mul3A_22 : i32
      %add3A_24 = arith.constant 9984 : i32
      %add3A_25 = arith.addi %mul3A_23, %add3A_24 : i32
      %multiple_of3A_26 = tpu.assume_multiple %add3A_25, 8 : i32
      "tpu.region"() ({
        %run_scoped3A = tpu.sem_alloc : memref<!tpu.dma_semaphore, #tpu.memory_space<semaphore_mem>>
        %dma_start3A = arith.constant 0 : i32
        %dma_start3A_27 = tpu.memref_slice %arg6[%multiple_of3A_26, %dma_start3A] : memref<20000x128xf32, #tpu.memory_space<hbm>> -> memref<16x128xf32, #tpu.memory_space<hbm>>
        %dma_start3A_28 = arith.constant 9984 : i32
        %dma_start3A_29 = arith.constant 0 : i32
        %dma_start3A_30 = tpu.memref_slice %arg10[%dma_start3A_28, %dma_start3A_29] : memref<10000x128xf32, #tpu.memory_space<vmem_shared>> -> memref<16x128xf32, #tpu.memory_space<vmem_shared>>
        tpu.enqueue_dma source(%dma_start3A_30 : memref<16x128xf32, #tpu.memory_space<vmem_shared>>) target(%dma_start3A_27 : memref<16x128xf32, #tpu.memory_space<hbm>>) target_semaphore(%run_scoped3A : memref<!tpu.dma_semaphore, #tpu.memory_space<semaphore_mem>>)
        %dma_wait3A = arith.constant 0 : i32
        %dma_wait3A_31 = tpu.memref_slice %arg6[%multiple_of3A_26, %dma_wait3A] : memref<20000x128xf32, #tpu.memory_space<hbm>> -> memref<16x128xf32, #tpu.memory_space<hbm>>
        %dma_wait3A_32 = arith.constant 9984 : i32
        %dma_wait3A_33 = arith.constant 0 : i32
        %dma_wait3A_34 = tpu.memref_slice %arg10[%dma_wait3A_32, %dma_wait3A_33] : memref<10000x128xf32, #tpu.memory_space<vmem_shared>> -> memref<16x128xf32, #tpu.memory_space<vmem_shared>>
        tpu.wait_dma2 semaphore(%run_scoped3A : memref<!tpu.dma_semaphore, #tpu.memory_space<semaphore_mem>>) src(%dma_wait3A_34 : memref<16x128xf32, #tpu.memory_space<vmem_shared>>) dst(%dma_wait3A_31 : memref<16x128xf32, #tpu.memory_space<hbm>>)
        tpu.yield
      }) : () -> ()
    } else {
    }
    return
  }
}

#map = affine_map<(d0, d1) -> (0)>
#map1 = affine_map<(d0, d1) -> (0, 0)>
module attributes {stable_mosaic.version = 14 : i64} {
  func.func @_sc_mp_body(%arg0: i32, %arg1: i32, %arg2: memref<640000xi32, #tpu.memory_space<hbm>>, %arg3: memref<320000xi32, #tpu.memory_space<hbm>>, %arg4: memref<20000x128xf32, #tpu.memory_space<hbm>>, %arg5: memref<10000x128xf32, #tpu.memory_space<hbm>>, %arg6: memref<20000x128xf32, #tpu.memory_space<hbm>>, %arg7: memref<80xi32, #tpu.memory_space<vmem>>, %arg8: memref<80xi32, #tpu.memory_space<vmem>>, %arg9: memref<80x128xf32, #tpu.memory_space<vmem>>, %arg10: memref<10000x128xf32, #tpu.memory_space<vmem_shared>>, %arg11: memref<!tpu.dma_semaphore, #tpu.memory_space<semaphore_mem>>) attributes {dimension_semantics = [#tpu.dimension_semantics<core_parallel>, #tpu.dimension_semantics<subcore_parallel>], iteration_bounds = array<i64: 2, 16>, scalar_prefetch = 0 : i64, scratch_operands = 5 : i64, tpu.core_type = #tpu.core_type<sc_vector_subcore>, window_params = [{transform_indices = #map}, {transform_indices = #map}, {transform_indices = #map1}, {transform_indices = #map1}, {transform_indices = #map1}]} {
    %mul3A = arith.constant 624 : i32
    %mul3A_0 = arith.muli %arg1, %mul3A : i32
    %mul3A_1 = arith.constant 624 : i32
    %mul3A_2 = arith.muli %arg1, %mul3A_1 : i32
    "tpu.region"() ({
      %run_scoped3A = tpu.sem_alloc : memref<!tpu.dma_semaphore, #tpu.memory_space<semaphore_mem>>
      %dma_start3A = arith.constant 0 : i32
      %dma_start3A_22 = tpu.memref_slice %arg10[%mul3A_2, %dma_start3A] : memref<10000x128xf32, #tpu.memory_space<vmem_shared>> -> memref<624x128xf32, #tpu.memory_space<vmem_shared>>
      %dma_start3A_23 = arith.constant 0 : i32
      %dma_start3A_24 = tpu.memref_slice %arg5[%mul3A_0, %dma_start3A_23] : memref<10000x128xf32, #tpu.memory_space<hbm>> -> memref<624x128xf32, #tpu.memory_space<hbm>>
      tpu.enqueue_dma source(%dma_start3A_24 : memref<624x128xf32, #tpu.memory_space<hbm>>) target(%dma_start3A_22 : memref<624x128xf32, #tpu.memory_space<vmem_shared>>) target_semaphore(%run_scoped3A : memref<!tpu.dma_semaphore, #tpu.memory_space<semaphore_mem>>)
      %dma_wait3A = arith.constant 0 : i32
      %dma_wait3A_25 = tpu.memref_slice %arg10[%mul3A_2, %dma_wait3A] : memref<10000x128xf32, #tpu.memory_space<vmem_shared>> -> memref<624x128xf32, #tpu.memory_space<vmem_shared>>
      %dma_wait3A_26 = arith.constant 0 : i32
      %dma_wait3A_27 = tpu.memref_slice %arg5[%mul3A_0, %dma_wait3A_26] : memref<10000x128xf32, #tpu.memory_space<hbm>> -> memref<624x128xf32, #tpu.memory_space<hbm>>
      tpu.wait_dma2 semaphore(%run_scoped3A : memref<!tpu.dma_semaphore, #tpu.memory_space<semaphore_mem>>) src(%dma_wait3A_27 : memref<624x128xf32, #tpu.memory_space<hbm>>) dst(%dma_wait3A_25 : memref<624x128xf32, #tpu.memory_space<vmem_shared>>)
      tpu.yield
    }) : () -> ()
    %eq3A = arith.constant 0 : i32
    %eq3A_3 = arith.cmpi eq, %arg1, %eq3A : i32
    %convert_element_type3A = arith.extui %eq3A_3 : i1 to i32
    %cond3A = arith.constant 0 : i32
    %cond3A_4 = arith.cmpi ne, %convert_element_type3A, %cond3A : i32
    scf.if %cond3A_4 {
      "tpu.region"() ({
        %run_scoped3A = tpu.sem_alloc : memref<!tpu.dma_semaphore, #tpu.memory_space<semaphore_mem>>
        %dma_start3A = arith.constant 9984 : i32
        %dma_start3A_22 = arith.constant 0 : i32
        %dma_start3A_23 = tpu.memref_slice %arg10[%dma_start3A, %dma_start3A_22] : memref<10000x128xf32, #tpu.memory_space<vmem_shared>> -> memref<16x128xf32, #tpu.memory_space<vmem_shared>>
        %dma_start3A_24 = arith.constant 9984 : i32
        %dma_start3A_25 = arith.constant 0 : i32
        %dma_start3A_26 = tpu.memref_slice %arg5[%dma_start3A_24, %dma_start3A_25] : memref<10000x128xf32, #tpu.memory_space<hbm>> -> memref<16x128xf32, #tpu.memory_space<hbm>>
        tpu.enqueue_dma source(%dma_start3A_26 : memref<16x128xf32, #tpu.memory_space<hbm>>) target(%dma_start3A_23 : memref<16x128xf32, #tpu.memory_space<vmem_shared>>) target_semaphore(%run_scoped3A : memref<!tpu.dma_semaphore, #tpu.memory_space<semaphore_mem>>)
        %dma_wait3A = arith.constant 9984 : i32
        %dma_wait3A_27 = arith.constant 0 : i32
        %dma_wait3A_28 = tpu.memref_slice %arg10[%dma_wait3A, %dma_wait3A_27] : memref<10000x128xf32, #tpu.memory_space<vmem_shared>> -> memref<16x128xf32, #tpu.memory_space<vmem_shared>>
        %dma_wait3A_29 = arith.constant 9984 : i32
        %dma_wait3A_30 = arith.constant 0 : i32
        %dma_wait3A_31 = tpu.memref_slice %arg5[%dma_wait3A_29, %dma_wait3A_30] : memref<10000x128xf32, #tpu.memory_space<hbm>> -> memref<16x128xf32, #tpu.memory_space<hbm>>
        tpu.wait_dma2 semaphore(%run_scoped3A : memref<!tpu.dma_semaphore, #tpu.memory_space<semaphore_mem>>) src(%dma_wait3A_31 : memref<16x128xf32, #tpu.memory_space<hbm>>) dst(%dma_wait3A_28 : memref<16x128xf32, #tpu.memory_space<vmem_shared>>)
        tpu.yield
      }) : () -> ()
    } else {
    }
    %barrier3A = arith.constant 0 : index
    tpu.barrier barrier_id(%barrier3A)
    %scan3A = arith.constant 0 : i32
    %scan3A_5 = arith.constant 0 : i32
    %scan3A_6 = arith.constant 250 : i32
    %scan3A_7 = arith.addi %scan3A_5, %scan3A_6 : i32
    %scan3A_8 = arith.constant 1 : i32
    scf.for %scan3A_22 = %scan3A_5 to %scan3A_7 step %scan3A_8  : i32 {
      %mul3A_23 = arith.constant 20000 : i32
      %mul3A_24 = arith.muli %arg1, %mul3A_23 : i32
      %mul3A_25 = arith.constant 80 : i32
      %mul3A_26 = arith.muli %scan3A_22, %mul3A_25 : i32
      %add3A_27 = arith.addi %mul3A_24, %mul3A_26 : i32
      %multiple_of3A_28 = tpu.assume_multiple %add3A_27, 8 : i32
      %mul3A_29 = arith.constant 320000 : i32
      %mul3A_30 = arith.muli %arg0, %mul3A_29 : i32
      %add3A_31 = arith.addi %mul3A_30, %multiple_of3A_28 : i32
      %multiple_of3A_32 = tpu.assume_multiple %add3A_31, 8 : i32
      "tpu.region"() ({
        %run_scoped3A = tpu.sem_alloc : memref<!tpu.dma_semaphore, #tpu.memory_space<semaphore_mem>>
        %dma_start3A_37 = tpu.memref_slice %arg2[%multiple_of3A_32] : memref<640000xi32, #tpu.memory_space<hbm>> -> memref<80xi32, #tpu.memory_space<hbm>>
        %dma_start3A_38 = tpu.memref_slice %arg2[%multiple_of3A_32] : memref<640000xi32, #tpu.memory_space<hbm>> -> memref<80xi32, #tpu.memory_space<hbm>>
        tpu.enqueue_dma source(%dma_start3A_38 : memref<80xi32, #tpu.memory_space<hbm>>) target(%arg7 : memref<80xi32, #tpu.memory_space<vmem>>) target_semaphore(%run_scoped3A : memref<!tpu.dma_semaphore, #tpu.memory_space<semaphore_mem>>)
        %dma_wait3A_39 = tpu.memref_slice %arg2[%multiple_of3A_32] : memref<640000xi32, #tpu.memory_space<hbm>> -> memref<80xi32, #tpu.memory_space<hbm>>
        %dma_wait3A_40 = tpu.memref_slice %arg2[%multiple_of3A_32] : memref<640000xi32, #tpu.memory_space<hbm>> -> memref<80xi32, #tpu.memory_space<hbm>>
        tpu.wait_dma2 semaphore(%run_scoped3A : memref<!tpu.dma_semaphore, #tpu.memory_space<semaphore_mem>>) src(%dma_wait3A_40 : memref<80xi32, #tpu.memory_space<hbm>>) dst(%arg7 : memref<80xi32, #tpu.memory_space<vmem>>)
        tpu.yield
      }) : () -> ()
      "tpu.region"() ({
        %run_scoped3A = tpu.sem_alloc : memref<!tpu.dma_semaphore, #tpu.memory_space<semaphore_mem>>
        %dma_start3A_37 = tpu.memref_slice %arg3[%multiple_of3A_28] : memref<320000xi32, #tpu.memory_space<hbm>> -> memref<80xi32, #tpu.memory_space<hbm>>
        %dma_start3A_38 = tpu.memref_slice %arg3[%multiple_of3A_28] : memref<320000xi32, #tpu.memory_space<hbm>> -> memref<80xi32, #tpu.memory_space<hbm>>
        tpu.enqueue_dma source(%dma_start3A_38 : memref<80xi32, #tpu.memory_space<hbm>>) target(%arg8 : memref<80xi32, #tpu.memory_space<vmem>>) target_semaphore(%run_scoped3A : memref<!tpu.dma_semaphore, #tpu.memory_space<semaphore_mem>>)
        %dma_wait3A_39 = tpu.memref_slice %arg3[%multiple_of3A_28] : memref<320000xi32, #tpu.memory_space<hbm>> -> memref<80xi32, #tpu.memory_space<hbm>>
        %dma_wait3A_40 = tpu.memref_slice %arg3[%multiple_of3A_28] : memref<320000xi32, #tpu.memory_space<hbm>> -> memref<80xi32, #tpu.memory_space<hbm>>
        tpu.wait_dma2 semaphore(%run_scoped3A : memref<!tpu.dma_semaphore, #tpu.memory_space<semaphore_mem>>) src(%dma_wait3A_40 : memref<80xi32, #tpu.memory_space<hbm>>) dst(%arg8 : memref<80xi32, #tpu.memory_space<vmem>>)
        tpu.yield
      }) : () -> ()
      %dma_start3A = arith.constant 0 : i32
      %dma_start3A_33 = arith.constant 0 : i32
      %dma_start3A_34 = tpu.memref_slice %arg4[%dma_start3A, %dma_start3A_33] : memref<20000x128xf32, #tpu.memory_space<hbm>> -> memref<20000x128xf32, #tpu.memory_space<hbm>>
      tpu.enqueue_indirect_dma source(%dma_start3A_34 : memref<20000x128xf32, #tpu.memory_space<hbm>>) target(%arg9 : memref<80x128xf32, #tpu.memory_space<vmem>>) offsets(%arg7 : memref<80xi32, #tpu.memory_space<vmem>>) semaphore(%arg11 : memref<!tpu.dma_semaphore, #tpu.memory_space<semaphore_mem>>)
      %dma_wait3A = arith.constant 0 : i32
      %dma_wait3A_35 = arith.constant 0 : i32
      %dma_wait3A_36 = tpu.memref_slice %arg4[%dma_wait3A, %dma_wait3A_35] : memref<20000x128xf32, #tpu.memory_space<hbm>> -> memref<20000x128xf32, #tpu.memory_space<hbm>>
      tpu.wait_indirect_dma semaphore(%arg11 : memref<!tpu.dma_semaphore, #tpu.memory_space<semaphore_mem>>) src(%dma_wait3A_36 : memref<20000x128xf32, #tpu.memory_space<hbm>>) dst(%arg9 : memref<80x128xf32, #tpu.memory_space<vmem>>)
      "tpu.region"() ({
        %run_scoped3A = tpu.sem_alloc : memref<!tpu.dma_semaphore, #tpu.memory_space<semaphore_mem>>
        %dma_start3A_37 = arith.constant 0 : i32
        %dma_start3A_38 = arith.constant 0 : i32
        %dma_start3A_39 = tpu.memref_slice %arg10[%dma_start3A_37, %dma_start3A_38] : memref<10000x128xf32, #tpu.memory_space<vmem_shared>> -> memref<10000x128xf32, #tpu.memory_space<vmem_shared>>
        tpu.enqueue_indirect_dma source(%arg9 : memref<80x128xf32, #tpu.memory_space<vmem>>) target(%dma_start3A_39 : memref<10000x128xf32, #tpu.memory_space<vmem_shared>>) offsets(%arg8 : memref<80xi32, #tpu.memory_space<vmem>>) semaphore(%run_scoped3A : memref<!tpu.dma_semaphore, #tpu.memory_space<semaphore_mem>>) {add = true}
        %dma_wait3A_40 = arith.constant 0 : i32
        %dma_wait3A_41 = arith.constant 0 : i32
        %dma_wait3A_42 = tpu.memref_slice %arg10[%dma_wait3A_40, %dma_wait3A_41] : memref<10000x128xf32, #tpu.memory_space<vmem_shared>> -> memref<10000x128xf32, #tpu.memory_space<vmem_shared>>
        tpu.wait_indirect_dma semaphore(%run_scoped3A : memref<!tpu.dma_semaphore, #tpu.memory_space<semaphore_mem>>) src(%arg9 : memref<80x128xf32, #tpu.memory_space<vmem>>) dst(%dma_wait3A_42 : memref<10000x128xf32, #tpu.memory_space<vmem_shared>>)
        tpu.yield
      }) : () -> ()
    }
    %scan3A_9 = arith.constant 250 : i32
    %barrier3A_10 = arith.constant 0 : index
    tpu.barrier barrier_id(%barrier3A_10)
    %mul3A_11 = arith.constant 10000 : i32
    %mul3A_12 = arith.muli %arg0, %mul3A_11 : i32
    %mul3A_13 = arith.constant 624 : i32
    %mul3A_14 = arith.muli %arg1, %mul3A_13 : i32
    %add3A = arith.addi %mul3A_12, %mul3A_14 : i32
    %multiple_of3A = tpu.assume_multiple %add3A, 8 : i32
    %mul3A_15 = arith.constant 624 : i32
    %mul3A_16 = arith.muli %arg1, %mul3A_15 : i32
    "tpu.region"() ({
      %run_scoped3A = tpu.sem_alloc : memref<!tpu.dma_semaphore, #tpu.memory_space<semaphore_mem>>
      %dma_start3A = arith.constant 0 : i32
      %dma_start3A_22 = tpu.memref_slice %arg6[%multiple_of3A, %dma_start3A] : memref<20000x128xf32, #tpu.memory_space<hbm>> -> memref<624x128xf32, #tpu.memory_space<hbm>>
      %dma_start3A_23 = arith.constant 0 : i32
      %dma_start3A_24 = tpu.memref_slice %arg10[%mul3A_16, %dma_start3A_23] : memref<10000x128xf32, #tpu.memory_space<vmem_shared>> -> memref<624x128xf32, #tpu.memory_space<vmem_shared>>
      tpu.enqueue_dma source(%dma_start3A_24 : memref<624x128xf32, #tpu.memory_space<vmem_shared>>) target(%dma_start3A_22 : memref<624x128xf32, #tpu.memory_space<hbm>>) target_semaphore(%run_scoped3A : memref<!tpu.dma_semaphore, #tpu.memory_space<semaphore_mem>>)
      %dma_wait3A = arith.constant 0 : i32
      %dma_wait3A_25 = tpu.memref_slice %arg6[%multiple_of3A, %dma_wait3A] : memref<20000x128xf32, #tpu.memory_space<hbm>> -> memref<624x128xf32, #tpu.memory_space<hbm>>
      %dma_wait3A_26 = arith.constant 0 : i32
      %dma_wait3A_27 = tpu.memref_slice %arg10[%mul3A_16, %dma_wait3A_26] : memref<10000x128xf32, #tpu.memory_space<vmem_shared>> -> memref<624x128xf32, #tpu.memory_space<vmem_shared>>
      tpu.wait_dma2 semaphore(%run_scoped3A : memref<!tpu.dma_semaphore, #tpu.memory_space<semaphore_mem>>) src(%dma_wait3A_27 : memref<624x128xf32, #tpu.memory_space<vmem_shared>>) dst(%dma_wait3A_25 : memref<624x128xf32, #tpu.memory_space<hbm>>)
      tpu.yield
    }) : () -> ()
    %eq3A_17 = arith.constant 0 : i32
    %eq3A_18 = arith.cmpi eq, %arg1, %eq3A_17 : i32
    %convert_element_type3A_19 = arith.extui %eq3A_18 : i1 to i32
    %cond3A_20 = arith.constant 0 : i32
    %cond3A_21 = arith.cmpi ne, %convert_element_type3A_19, %cond3A_20 : i32
    scf.if %cond3A_21 {
      %mul3A_22 = arith.constant 10000 : i32
      %mul3A_23 = arith.muli %arg0, %mul3A_22 : i32
      %add3A_24 = arith.constant 9984 : i32
      %add3A_25 = arith.addi %mul3A_23, %add3A_24 : i32
      %multiple_of3A_26 = tpu.assume_multiple %add3A_25, 8 : i32
      "tpu.region"() ({
        %run_scoped3A = tpu.sem_alloc : memref<!tpu.dma_semaphore, #tpu.memory_space<semaphore_mem>>
        %dma_start3A = arith.constant 0 : i32
        %dma_start3A_27 = tpu.memref_slice %arg6[%multiple_of3A_26, %dma_start3A] : memref<20000x128xf32, #tpu.memory_space<hbm>> -> memref<16x128xf32, #tpu.memory_space<hbm>>
        %dma_start3A_28 = arith.constant 9984 : i32
        %dma_start3A_29 = arith.constant 0 : i32
        %dma_start3A_30 = tpu.memref_slice %arg10[%dma_start3A_28, %dma_start3A_29] : memref<10000x128xf32, #tpu.memory_space<vmem_shared>> -> memref<16x128xf32, #tpu.memory_space<vmem_shared>>
        tpu.enqueue_dma source(%dma_start3A_30 : memref<16x128xf32, #tpu.memory_space<vmem_shared>>) target(%dma_start3A_27 : memref<16x128xf32, #tpu.memory_space<hbm>>) target_semaphore(%run_scoped3A : memref<!tpu.dma_semaphore, #tpu.memory_space<semaphore_mem>>)
        %dma_wait3A = arith.constant 0 : i32
        %dma_wait3A_31 = tpu.memref_slice %arg6[%multiple_of3A_26, %dma_wait3A] : memref<20000x128xf32, #tpu.memory_space<hbm>> -> memref<16x128xf32, #tpu.memory_space<hbm>>
        %dma_wait3A_32 = arith.constant 9984 : i32
        %dma_wait3A_33 = arith.constant 0 : i32
        %dma_wait3A_34 = tpu.memref_slice %arg10[%dma_wait3A_32, %dma_wait3A_33] : memref<10000x128xf32, #tpu.memory_space<vmem_shared>> -> memref<16x128xf32, #tpu.memory_space<vmem_shared>>
        tpu.wait_dma2 semaphore(%run_scoped3A : memref<!tpu.dma_semaphore, #tpu.memory_space<semaphore_mem>>) src(%dma_wait3A_34 : memref<16x128xf32, #tpu.memory_space<vmem_shared>>) dst(%dma_wait3A_31 : memref<16x128xf32, #tpu.memory_space<hbm>>)
        tpu.yield
      }) : () -> ()
    } else {
    }
    return
  }
}

#map = affine_map<(d0, d1) -> (0)>
#map1 = affine_map<(d0, d1) -> (0, 0)>
module attributes {stable_mosaic.version = 14 : i64} {
  func.func @_sc_mp_body(%arg0: i32, %arg1: i32, %arg2: memref<640000xi32, #tpu.memory_space<hbm>>, %arg3: memref<320000xi32, #tpu.memory_space<hbm>>, %arg4: memref<20000x128xf32, #tpu.memory_space<hbm>>, %arg5: memref<10000x128xf32, #tpu.memory_space<hbm>>, %arg6: memref<20000x128xf32, #tpu.memory_space<hbm>>, %arg7: memref<80xi32, #tpu.memory_space<vmem>>, %arg8: memref<80xi32, #tpu.memory_space<vmem>>, %arg9: memref<80x128xf32, #tpu.memory_space<vmem>>, %arg10: memref<10000x128xf32, #tpu.memory_space<vmem_shared>>, %arg11: memref<!tpu.dma_semaphore, #tpu.memory_space<semaphore_mem>>) attributes {dimension_semantics = [#tpu.dimension_semantics<core_parallel>, #tpu.dimension_semantics<subcore_parallel>], iteration_bounds = array<i64: 2, 16>, scalar_prefetch = 0 : i64, scratch_operands = 5 : i64, tpu.core_type = #tpu.core_type<sc_vector_subcore>, window_params = [{transform_indices = #map}, {transform_indices = #map}, {transform_indices = #map1}, {transform_indices = #map1}, {transform_indices = #map1}]} {
    %mul3A = arith.constant 624 : i32
    %mul3A_0 = arith.muli %arg1, %mul3A : i32
    %mul3A_1 = arith.constant 624 : i32
    %mul3A_2 = arith.muli %arg1, %mul3A_1 : i32
    "tpu.region"() ({
      %run_scoped3A = tpu.sem_alloc : memref<!tpu.dma_semaphore, #tpu.memory_space<semaphore_mem>>
      %dma_start3A = arith.constant 0 : i32
      %dma_start3A_22 = tpu.memref_slice %arg10[%mul3A_2, %dma_start3A] : memref<10000x128xf32, #tpu.memory_space<vmem_shared>> -> memref<624x128xf32, #tpu.memory_space<vmem_shared>>
      %dma_start3A_23 = arith.constant 0 : i32
      %dma_start3A_24 = tpu.memref_slice %arg5[%mul3A_0, %dma_start3A_23] : memref<10000x128xf32, #tpu.memory_space<hbm>> -> memref<624x128xf32, #tpu.memory_space<hbm>>
      tpu.enqueue_dma source(%dma_start3A_24 : memref<624x128xf32, #tpu.memory_space<hbm>>) target(%dma_start3A_22 : memref<624x128xf32, #tpu.memory_space<vmem_shared>>) target_semaphore(%run_scoped3A : memref<!tpu.dma_semaphore, #tpu.memory_space<semaphore_mem>>)
      %dma_wait3A = arith.constant 0 : i32
      %dma_wait3A_25 = tpu.memref_slice %arg10[%mul3A_2, %dma_wait3A] : memref<10000x128xf32, #tpu.memory_space<vmem_shared>> -> memref<624x128xf32, #tpu.memory_space<vmem_shared>>
      %dma_wait3A_26 = arith.constant 0 : i32
      %dma_wait3A_27 = tpu.memref_slice %arg5[%mul3A_0, %dma_wait3A_26] : memref<10000x128xf32, #tpu.memory_space<hbm>> -> memref<624x128xf32, #tpu.memory_space<hbm>>
      tpu.wait_dma2 semaphore(%run_scoped3A : memref<!tpu.dma_semaphore, #tpu.memory_space<semaphore_mem>>) src(%dma_wait3A_27 : memref<624x128xf32, #tpu.memory_space<hbm>>) dst(%dma_wait3A_25 : memref<624x128xf32, #tpu.memory_space<vmem_shared>>)
      tpu.yield
    }) : () -> ()
    %eq3A = arith.constant 0 : i32
    %eq3A_3 = arith.cmpi eq, %arg1, %eq3A : i32
    %convert_element_type3A = arith.extui %eq3A_3 : i1 to i32
    %cond3A = arith.constant 0 : i32
    %cond3A_4 = arith.cmpi ne, %convert_element_type3A, %cond3A : i32
    scf.if %cond3A_4 {
      "tpu.region"() ({
        %run_scoped3A = tpu.sem_alloc : memref<!tpu.dma_semaphore, #tpu.memory_space<semaphore_mem>>
        %dma_start3A = arith.constant 9984 : i32
        %dma_start3A_22 = arith.constant 0 : i32
        %dma_start3A_23 = tpu.memref_slice %arg10[%dma_start3A, %dma_start3A_22] : memref<10000x128xf32, #tpu.memory_space<vmem_shared>> -> memref<16x128xf32, #tpu.memory_space<vmem_shared>>
        %dma_start3A_24 = arith.constant 9984 : i32
        %dma_start3A_25 = arith.constant 0 : i32
        %dma_start3A_26 = tpu.memref_slice %arg5[%dma_start3A_24, %dma_start3A_25] : memref<10000x128xf32, #tpu.memory_space<hbm>> -> memref<16x128xf32, #tpu.memory_space<hbm>>
        tpu.enqueue_dma source(%dma_start3A_26 : memref<16x128xf32, #tpu.memory_space<hbm>>) target(%dma_start3A_23 : memref<16x128xf32, #tpu.memory_space<vmem_shared>>) target_semaphore(%run_scoped3A : memref<!tpu.dma_semaphore, #tpu.memory_space<semaphore_mem>>)
        %dma_wait3A = arith.constant 9984 : i32
        %dma_wait3A_27 = arith.constant 0 : i32
        %dma_wait3A_28 = tpu.memref_slice %arg10[%dma_wait3A, %dma_wait3A_27] : memref<10000x128xf32, #tpu.memory_space<vmem_shared>> -> memref<16x128xf32, #tpu.memory_space<vmem_shared>>
        %dma_wait3A_29 = arith.constant 9984 : i32
        %dma_wait3A_30 = arith.constant 0 : i32
        %dma_wait3A_31 = tpu.memref_slice %arg5[%dma_wait3A_29, %dma_wait3A_30] : memref<10000x128xf32, #tpu.memory_space<hbm>> -> memref<16x128xf32, #tpu.memory_space<hbm>>
        tpu.wait_dma2 semaphore(%run_scoped3A : memref<!tpu.dma_semaphore, #tpu.memory_space<semaphore_mem>>) src(%dma_wait3A_31 : memref<16x128xf32, #tpu.memory_space<hbm>>) dst(%dma_wait3A_28 : memref<16x128xf32, #tpu.memory_space<vmem_shared>>)
        tpu.yield
      }) : () -> ()
    } else {
    }
    %barrier3A = arith.constant 0 : index
    tpu.barrier barrier_id(%barrier3A)
    %scan3A = arith.constant 0 : i32
    %scan3A_5 = arith.constant 0 : i32
    %scan3A_6 = arith.constant 250 : i32
    %scan3A_7 = arith.addi %scan3A_5, %scan3A_6 : i32
    %scan3A_8 = arith.constant 1 : i32
    scf.for %scan3A_22 = %scan3A_5 to %scan3A_7 step %scan3A_8  : i32 {
      %mul3A_23 = arith.constant 20000 : i32
      %mul3A_24 = arith.muli %arg1, %mul3A_23 : i32
      %mul3A_25 = arith.constant 80 : i32
      %mul3A_26 = arith.muli %scan3A_22, %mul3A_25 : i32
      %add3A_27 = arith.addi %mul3A_24, %mul3A_26 : i32
      %multiple_of3A_28 = tpu.assume_multiple %add3A_27, 8 : i32
      %mul3A_29 = arith.constant 320000 : i32
      %mul3A_30 = arith.muli %arg0, %mul3A_29 : i32
      %add3A_31 = arith.addi %mul3A_30, %multiple_of3A_28 : i32
      %multiple_of3A_32 = tpu.assume_multiple %add3A_31, 8 : i32
      "tpu.region"() ({
        %run_scoped3A = tpu.sem_alloc : memref<!tpu.dma_semaphore, #tpu.memory_space<semaphore_mem>>
        %dma_start3A_37 = tpu.memref_slice %arg2[%multiple_of3A_32] : memref<640000xi32, #tpu.memory_space<hbm>> -> memref<80xi32, #tpu.memory_space<hbm>>
        %dma_start3A_38 = tpu.memref_slice %arg2[%multiple_of3A_32] : memref<640000xi32, #tpu.memory_space<hbm>> -> memref<80xi32, #tpu.memory_space<hbm>>
        tpu.enqueue_dma source(%dma_start3A_38 : memref<80xi32, #tpu.memory_space<hbm>>) target(%arg7 : memref<80xi32, #tpu.memory_space<vmem>>) target_semaphore(%run_scoped3A : memref<!tpu.dma_semaphore, #tpu.memory_space<semaphore_mem>>)
        %dma_wait3A_39 = tpu.memref_slice %arg2[%multiple_of3A_32] : memref<640000xi32, #tpu.memory_space<hbm>> -> memref<80xi32, #tpu.memory_space<hbm>>
        %dma_wait3A_40 = tpu.memref_slice %arg2[%multiple_of3A_32] : memref<640000xi32, #tpu.memory_space<hbm>> -> memref<80xi32, #tpu.memory_space<hbm>>
        tpu.wait_dma2 semaphore(%run_scoped3A : memref<!tpu.dma_semaphore, #tpu.memory_space<semaphore_mem>>) src(%dma_wait3A_40 : memref<80xi32, #tpu.memory_space<hbm>>) dst(%arg7 : memref<80xi32, #tpu.memory_space<vmem>>)
        tpu.yield
      }) : () -> ()
      "tpu.region"() ({
        %run_scoped3A = tpu.sem_alloc : memref<!tpu.dma_semaphore, #tpu.memory_space<semaphore_mem>>
        %dma_start3A_37 = tpu.memref_slice %arg3[%multiple_of3A_28] : memref<320000xi32, #tpu.memory_space<hbm>> -> memref<80xi32, #tpu.memory_space<hbm>>
        %dma_start3A_38 = tpu.memref_slice %arg3[%multiple_of3A_28] : memref<320000xi32, #tpu.memory_space<hbm>> -> memref<80xi32, #tpu.memory_space<hbm>>
        tpu.enqueue_dma source(%dma_start3A_38 : memref<80xi32, #tpu.memory_space<hbm>>) target(%arg8 : memref<80xi32, #tpu.memory_space<vmem>>) target_semaphore(%run_scoped3A : memref<!tpu.dma_semaphore, #tpu.memory_space<semaphore_mem>>)
        %dma_wait3A_39 = tpu.memref_slice %arg3[%multiple_of3A_28] : memref<320000xi32, #tpu.memory_space<hbm>> -> memref<80xi32, #tpu.memory_space<hbm>>
        %dma_wait3A_40 = tpu.memref_slice %arg3[%multiple_of3A_28] : memref<320000xi32, #tpu.memory_space<hbm>> -> memref<80xi32, #tpu.memory_space<hbm>>
        tpu.wait_dma2 semaphore(%run_scoped3A : memref<!tpu.dma_semaphore, #tpu.memory_space<semaphore_mem>>) src(%dma_wait3A_40 : memref<80xi32, #tpu.memory_space<hbm>>) dst(%arg8 : memref<80xi32, #tpu.memory_space<vmem>>)
        tpu.yield
      }) : () -> ()
      %dma_start3A = arith.constant 0 : i32
      %dma_start3A_33 = arith.constant 0 : i32
      %dma_start3A_34 = tpu.memref_slice %arg4[%dma_start3A, %dma_start3A_33] : memref<20000x128xf32, #tpu.memory_space<hbm>> -> memref<20000x128xf32, #tpu.memory_space<hbm>>
      tpu.enqueue_indirect_dma source(%dma_start3A_34 : memref<20000x128xf32, #tpu.memory_space<hbm>>) target(%arg9 : memref<80x128xf32, #tpu.memory_space<vmem>>) offsets(%arg7 : memref<80xi32, #tpu.memory_space<vmem>>) semaphore(%arg11 : memref<!tpu.dma_semaphore, #tpu.memory_space<semaphore_mem>>)
      %dma_wait3A = arith.constant 0 : i32
      %dma_wait3A_35 = arith.constant 0 : i32
      %dma_wait3A_36 = tpu.memref_slice %arg4[%dma_wait3A, %dma_wait3A_35] : memref<20000x128xf32, #tpu.memory_space<hbm>> -> memref<20000x128xf32, #tpu.memory_space<hbm>>
      tpu.wait_indirect_dma semaphore(%arg11 : memref<!tpu.dma_semaphore, #tpu.memory_space<semaphore_mem>>) src(%dma_wait3A_36 : memref<20000x128xf32, #tpu.memory_space<hbm>>) dst(%arg9 : memref<80x128xf32, #tpu.memory_space<vmem>>)
      "tpu.region"() ({
        %run_scoped3A = tpu.sem_alloc : memref<!tpu.dma_semaphore, #tpu.memory_space<semaphore_mem>>
        %dma_start3A_37 = arith.constant 0 : i32
        %dma_start3A_38 = arith.constant 0 : i32
        %dma_start3A_39 = tpu.memref_slice %arg10[%dma_start3A_37, %dma_start3A_38] : memref<10000x128xf32, #tpu.memory_space<vmem_shared>> -> memref<10000x128xf32, #tpu.memory_space<vmem_shared>>
        tpu.enqueue_indirect_dma source(%arg9 : memref<80x128xf32, #tpu.memory_space<vmem>>) target(%dma_start3A_39 : memref<10000x128xf32, #tpu.memory_space<vmem_shared>>) offsets(%arg8 : memref<80xi32, #tpu.memory_space<vmem>>) semaphore(%run_scoped3A : memref<!tpu.dma_semaphore, #tpu.memory_space<semaphore_mem>>) {add = true}
        %dma_wait3A_40 = arith.constant 0 : i32
        %dma_wait3A_41 = arith.constant 0 : i32
        %dma_wait3A_42 = tpu.memref_slice %arg10[%dma_wait3A_40, %dma_wait3A_41] : memref<10000x128xf32, #tpu.memory_space<vmem_shared>> -> memref<10000x128xf32, #tpu.memory_space<vmem_shared>>
        tpu.wait_indirect_dma semaphore(%run_scoped3A : memref<!tpu.dma_semaphore, #tpu.memory_space<semaphore_mem>>) src(%arg9 : memref<80x128xf32, #tpu.memory_space<vmem>>) dst(%dma_wait3A_42 : memref<10000x128xf32, #tpu.memory_space<vmem_shared>>)
        tpu.yield
      }) : () -> ()
    }
    %scan3A_9 = arith.constant 250 : i32
    %barrier3A_10 = arith.constant 0 : index
    tpu.barrier barrier_id(%barrier3A_10)
    %mul3A_11 = arith.constant 10000 : i32
    %mul3A_12 = arith.muli %arg0, %mul3A_11 : i32
    %mul3A_13 = arith.constant 624 : i32
    %mul3A_14 = arith.muli %arg1, %mul3A_13 : i32
    %add3A = arith.addi %mul3A_12, %mul3A_14 : i32
    %multiple_of3A = tpu.assume_multiple %add3A, 8 : i32
    %mul3A_15 = arith.constant 624 : i32
    %mul3A_16 = arith.muli %arg1, %mul3A_15 : i32
    "tpu.region"() ({
      %run_scoped3A = tpu.sem_alloc : memref<!tpu.dma_semaphore, #tpu.memory_space<semaphore_mem>>
      %dma_start3A = arith.constant 0 : i32
      %dma_start3A_22 = tpu.memref_slice %arg6[%multiple_of3A, %dma_start3A] : memref<20000x128xf32, #tpu.memory_space<hbm>> -> memref<624x128xf32, #tpu.memory_space<hbm>>
      %dma_start3A_23 = arith.constant 0 : i32
      %dma_start3A_24 = tpu.memref_slice %arg10[%mul3A_16, %dma_start3A_23] : memref<10000x128xf32, #tpu.memory_space<vmem_shared>> -> memref<624x128xf32, #tpu.memory_space<vmem_shared>>
      tpu.enqueue_dma source(%dma_start3A_24 : memref<624x128xf32, #tpu.memory_space<vmem_shared>>) target(%dma_start3A_22 : memref<624x128xf32, #tpu.memory_space<hbm>>) target_semaphore(%run_scoped3A : memref<!tpu.dma_semaphore, #tpu.memory_space<semaphore_mem>>)
      %dma_wait3A = arith.constant 0 : i32
      %dma_wait3A_25 = tpu.memref_slice %arg6[%multiple_of3A, %dma_wait3A] : memref<20000x128xf32, #tpu.memory_space<hbm>> -> memref<624x128xf32, #tpu.memory_space<hbm>>
      %dma_wait3A_26 = arith.constant 0 : i32
      %dma_wait3A_27 = tpu.memref_slice %arg10[%mul3A_16, %dma_wait3A_26] : memref<10000x128xf32, #tpu.memory_space<vmem_shared>> -> memref<624x128xf32, #tpu.memory_space<vmem_shared>>
      tpu.wait_dma2 semaphore(%run_scoped3A : memref<!tpu.dma_semaphore, #tpu.memory_space<semaphore_mem>>) src(%dma_wait3A_27 : memref<624x128xf32, #tpu.memory_space<vmem_shared>>) dst(%dma_wait3A_25 : memref<624x128xf32, #tpu.memory_space<hbm>>)
      tpu.yield
    }) : () -> ()
    %eq3A_17 = arith.constant 0 : i32
    %eq3A_18 = arith.cmpi eq, %arg1, %eq3A_17 : i32
    %convert_element_type3A_19 = arith.extui %eq3A_18 : i1 to i32
    %cond3A_20 = arith.constant 0 : i32
    %cond3A_21 = arith.cmpi ne, %convert_element_type3A_19, %cond3A_20 : i32
    scf.if %cond3A_21 {
      %mul3A_22 = arith.constant 10000 : i32
      %mul3A_23 = arith.muli %arg0, %mul3A_22 : i32
      %add3A_24 = arith.constant 9984 : i32
      %add3A_25 = arith.addi %mul3A_23, %add3A_24 : i32
      %multiple_of3A_26 = tpu.assume_multiple %add3A_25, 8 : i32
      "tpu.region"() ({
        %run_scoped3A = tpu.sem_alloc : memref<!tpu.dma_semaphore, #tpu.memory_space<semaphore_mem>>
        %dma_start3A = arith.constant 0 : i32
        %dma_start3A_27 = tpu.memref_slice %arg6[%multiple_of3A_26, %dma_start3A] : memref<20000x128xf32, #tpu.memory_space<hbm>> -> memref<16x128xf32, #tpu.memory_space<hbm>>
        %dma_start3A_28 = arith.constant 9984 : i32
        %dma_start3A_29 = arith.constant 0 : i32
        %dma_start3A_30 = tpu.memref_slice %arg10[%dma_start3A_28, %dma_start3A_29] : memref<10000x128xf32, #tpu.memory_space<vmem_shared>> -> memref<16x128xf32, #tpu.memory_space<vmem_shared>>
        tpu.enqueue_dma source(%dma_start3A_30 : memref<16x128xf32, #tpu.memory_space<vmem_shared>>) target(%dma_start3A_27 : memref<16x128xf32, #tpu.memory_space<hbm>>) target_semaphore(%run_scoped3A : memref<!tpu.dma_semaphore, #tpu.memory_space<semaphore_mem>>)
        %dma_wait3A = arith.constant 0 : i32
        %dma_wait3A_31 = tpu.memref_slice %arg6[%multiple_of3A_26, %dma_wait3A] : memref<20000x128xf32, #tpu.memory_space<hbm>> -> memref<16x128xf32, #tpu.memory_space<hbm>>
        %dma_wait3A_32 = arith.constant 9984 : i32
        %dma_wait3A_33 = arith.constant 0 : i32
        %dma_wait3A_34 = tpu.memref_slice %arg10[%dma_wait3A_32, %dma_wait3A_33] : memref<10000x128xf32, #tpu.memory_space<vmem_shared>> -> memref<16x128xf32, #tpu.memory_space<vmem_shared>>
        tpu.wait_dma2 semaphore(%run_scoped3A : memref<!tpu.dma_semaphore, #tpu.memory_space<semaphore_mem>>) src(%dma_wait3A_34 : memref<16x128xf32, #tpu.memory_space<vmem_shared>>) dst(%dma_wait3A_31 : memref<16x128xf32, #tpu.memory_space<hbm>>)
        tpu.yield
      }) : () -> ()
    } else {
    }
    return
  }
}

module attributes {stable_mosaic.version = 14 : i64} {
  func.func @_mm_scale_body(%arg0: i32, %arg1: i32, %arg2: memref<400x128xf32, #tpu.memory_space<vmem>>, %arg3: memref<128x128xf32, #tpu.memory_space<vmem>>, %arg4: memref<400x16xf32, #tpu.memory_space<vmem>>, %arg5: memref<400x128xf32, #tpu.memory_space<vmem>>) attributes {dimension_semantics = [#tpu.dimension_semantics<arbitrary>, #tpu.dimension_semantics<arbitrary>], iteration_bounds = array<i64: 2, 25>, scalar_prefetch = 0 : i64, scratch_operands = 0 : i64, tpu.core_type = #tpu.core_type<tc>, window_params = [{transform_indices = @transform_0, window_bounds = array<i64: 400, 128>}, {transform_indices = @transform_1, window_bounds = array<i64: 128, 128>}, {transform_indices = @transform_2, window_bounds = array<i64: 400, 16>}, {transform_indices = @transform_3, window_bounds = array<i64: 400, 128>}]} {
    %get3A = arith.constant 0 : index
    %get3A_0 = arith.constant 0 : index
    %get3A_1 = vector.load %arg4[%get3A, %get3A_0] : memref<400x16xf32, #tpu.memory_space<vmem>>, vector<400x1xf32>
    %add3A = arith.constant 1.000000e+00 : f32
    %add3A_2 = vector.broadcast %add3A : f32 to vector<400x1xf32>
    %add3A_3 = arith.addf %get3A_1, %add3A_2 : vector<400x1xf32>
    %rsqrt3A = math.rsqrt %add3A_3 : vector<400x1xf32>
    %get3A_4 = arith.constant 0 : index
    %get3A_5 = arith.constant 0 : index
    %get3A_6 = vector.load %arg2[%get3A_4, %get3A_5] : memref<400x128xf32, #tpu.memory_space<vmem>>, vector<400x128xf32>
    %get3A_7 = arith.constant 0 : index
    %get3A_8 = arith.constant 0 : index
    %get3A_9 = vector.load %arg3[%get3A_7, %get3A_8] : memref<128x128xf32, #tpu.memory_space<vmem>>, vector<128x128xf32>
    %dot_general3A = arith.constant dense<0.000000e+00> : vector<400x128xf32>
    %dot_general3A_10 = tpu.matmul %get3A_6, %get3A_9, %dot_general3A {dimension_numbers = #tpu.dot_dimension_numbers<[1], [0], [0], [1], [0, 0, 1, 1], [], []>, transpose_lhs_hint = false} : vector<400x128xf32>, vector<128x128xf32>, vector<400x128xf32> -> vector<400x128xf32>
    %mul3A = vector.broadcast %rsqrt3A : vector<400x1xf32> to vector<400x128xf32>
    %mul3A_11 = arith.mulf %dot_general3A_10, %mul3A : vector<400x128xf32>
    %swap3A = arith.constant 0 : index
    %swap3A_12 = arith.constant 0 : index
    %swap3A_13 = vector.load %arg5[%swap3A, %swap3A_12] : memref<400x128xf32, #tpu.memory_space<vmem>>, vector<400x128xf32>
    tpu.vector_store %arg5[%swap3A, %swap3A_12], %mul3A_11 {strides = array<i32>} : memref<400x128xf32, #tpu.memory_space<vmem>>, vector<400x128xf32>,
    return
  }
  func.func @transform_0(%arg0: i32, %arg1: i32) -> (i32, i32) {
    %c0_i32 = arith.constant 0 : i32
    %c0_i32_0 = arith.constant 0 : i32
    return %arg1, %c0_i32 : i32, i32
  }
  func.func @transform_1(%arg0: i32, %arg1: i32) -> (i32, i32) {
    %c0_i32 = arith.constant 0 : i32
    %c0_i32_0 = arith.constant 0 : i32
    return %c0_i32, %arg0 : i32, i32
  }
  func.func @transform_2(%arg0: i32, %arg1: i32) -> (i32, i32) {
    %c0_i32 = arith.constant 0 : i32
    %c0_i32_0 = arith.constant 0 : i32
    return %arg1, %c0_i32 : i32, i32
  }
  func.func @transform_3(%arg0: i32, %arg1: i32) -> (i32, i32) {
    %mul3A = arith.constant 25 : i32
    %mul3A_0 = arith.muli %arg0, %mul3A : i32
    %add3A = arith.addi %mul3A_0, %arg1 : i32
    %c0_i32 = arith.constant 0 : i32
    %c0_i32_1 = arith.constant 0 : i32
    return %add3A, %c0_i32 : i32, i32
  }
}

module attributes {stable_mosaic.version = 14 : i64} {
  func.func @_combine_body(%arg0: i32, %arg1: memref<400x128xf32, #tpu.memory_space<vmem>>, %arg2: memref<400x128xf32, #tpu.memory_space<vmem>>, %arg3: memref<400x128xf32, #tpu.memory_space<vmem>>, %arg4: memref<400x128xf32, #tpu.memory_space<vmem>>, %arg5: memref<400x16xf32, #tpu.memory_space<vmem>>, %arg6: memref<1x256xf32, #tpu.memory_space<vmem>>, %arg7: memref<400x256xf32, #tpu.memory_space<vmem>>) attributes {dimension_semantics = [#tpu.dimension_semantics<arbitrary>], iteration_bounds = array<i64: 25>, scalar_prefetch = 0 : i64, scratch_operands = 0 : i64, tpu.core_type = #tpu.core_type<tc>, window_params = [{transform_indices = @transform_0, window_bounds = array<i64: 400, 128>}, {transform_indices = @transform_1, window_bounds = array<i64: 400, 128>}, {transform_indices = @transform_2, window_bounds = array<i64: 400, 128>}, {transform_indices = @transform_3, window_bounds = array<i64: 400, 128>}, {transform_indices = @transform_4, window_bounds = array<i64: 400, 16>}, {pipeline_mode = #tpu.pipeline_mode<synchronous>, transform_indices = @transform_5, window_bounds = array<i64: 1, 256>}, {transform_indices = @transform_6, window_bounds = array<i64: 400, 256>}]} {
    %get3A = arith.constant 0 : index
    %get3A_0 = arith.constant 0 : index
    %get3A_1 = vector.load %arg5[%get3A, %get3A_0] : memref<400x16xf32, #tpu.memory_space<vmem>>, vector<400x1xf32>
    %add3A = arith.constant 1.000000e+00 : f32
    %add3A_2 = vector.broadcast %add3A : f32 to vector<400x1xf32>
    %add3A_3 = arith.addf %get3A_1, %add3A_2 : vector<400x1xf32>
    %rsqrt3A = math.rsqrt %add3A_3 : vector<400x1xf32>
    %get3A_4 = arith.constant 0 : index
    %get3A_5 = arith.constant 0 : index
    %get3A_6 = vector.load %arg1[%get3A_4, %get3A_5] : memref<400x128xf32, #tpu.memory_space<vmem>>, vector<400x128xf32>
    %get3A_7 = arith.constant 0 : index
    %get3A_8 = arith.constant 0 : index
    %get3A_9 = vector.load %arg3[%get3A_7, %get3A_8] : memref<400x128xf32, #tpu.memory_space<vmem>>, vector<400x128xf32>
    %add3A_10 = arith.addf %get3A_6, %get3A_9 : vector<400x128xf32>
    %mul3A = vector.broadcast %rsqrt3A : vector<400x1xf32> to vector<400x128xf32>
    %mul3A_11 = arith.mulf %add3A_10, %mul3A : vector<400x128xf32>
    %get3A_12 = arith.constant 0 : index
    %get3A_13 = arith.constant 0 : index
    %get3A_14 = vector.load %arg6[%get3A_12, %get3A_13] : memref<1x256xf32, #tpu.memory_space<vmem>>, vector<1x128xf32>
    %add3A_15 = vector.broadcast %get3A_14 : vector<1x128xf32> to vector<400x128xf32>
    %add3A_16 = arith.addf %mul3A_11, %add3A_15 : vector<400x128xf32>
    %get3A_17 = arith.constant 0 : index
    %get3A_18 = arith.constant 0 : index
    %get3A_19 = vector.load %arg2[%get3A_17, %get3A_18] : memref<400x128xf32, #tpu.memory_space<vmem>>, vector<400x128xf32>
    %get3A_20 = arith.constant 0 : index
    %get3A_21 = arith.constant 0 : index
    %get3A_22 = vector.load %arg4[%get3A_20, %get3A_21] : memref<400x128xf32, #tpu.memory_space<vmem>>, vector<400x128xf32>
    %add3A_23 = arith.addf %get3A_19, %get3A_22 : vector<400x128xf32>
    %mul3A_24 = vector.broadcast %rsqrt3A : vector<400x1xf32> to vector<400x128xf32>
    %mul3A_25 = arith.mulf %add3A_23, %mul3A_24 : vector<400x128xf32>
    %get3A_26 = arith.constant 0 : index
    %get3A_27 = arith.constant 128 : index
    %get3A_28 = vector.load %arg6[%get3A_26, %get3A_27] : memref<1x256xf32, #tpu.memory_space<vmem>>, vector<1x128xf32>
    %add3A_29 = vector.broadcast %get3A_28 : vector<1x128xf32> to vector<400x128xf32>
    %add3A_30 = arith.addf %mul3A_25, %add3A_29 : vector<400x128xf32>
    %concatenate3A = tpu.concatenate %add3A_16, %add3A_30 in 1 : vector<400x128xf32>, vector<400x128xf32> -> vector<400x256xf32>
    %max3A = arith.constant 0.000000e+00 : f32
    %max3A_31 = vector.broadcast %max3A : f32 to vector<400x256xf32>
    %max3A_32 = arith.maximumf %concatenate3A, %max3A_31 : vector<400x256xf32>
    %swap3A = arith.constant 0 : index
    %swap3A_33 = arith.constant 0 : index
    %swap3A_34 = vector.load %arg7[%swap3A, %swap3A_33] : memref<400x256xf32, #tpu.memory_space<vmem>>, vector<400x256xf32>
    tpu.vector_store %arg7[%swap3A, %swap3A_33], %max3A_32 {strides = array<i32>} : memref<400x256xf32, #tpu.memory_space<vmem>>, vector<400x256xf32>,
    return
  }
  func.func @transform_0(%arg0: i32) -> (i32, i32) {
    %c0_i32 = arith.constant 0 : i32
    %c0_i32_0 = arith.constant 0 : i32
    return %arg0, %c0_i32 : i32, i32
  }
  func.func @transform_1(%arg0: i32) -> (i32, i32) {
    %add3A = arith.constant 25 : i32
    %add3A_0 = arith.addi %add3A, %arg0 : i32
    %c0_i32 = arith.constant 0 : i32
    %c0_i32_1 = arith.constant 0 : i32
    return %add3A_0, %c0_i32 : i32, i32
  }
  func.func @transform_2(%arg0: i32) -> (i32, i32) {
    %c0_i32 = arith.constant 0 : i32
    %c0_i32_0 = arith.constant 0 : i32
    return %arg0, %c0_i32 : i32, i32
  }
  func.func @transform_3(%arg0: i32) -> (i32, i32) {
    %add3A = arith.constant 25 : i32
    %add3A_0 = arith.addi %add3A, %arg0 : i32
    %c0_i32 = arith.constant 0 : i32
    %c0_i32_1 = arith.constant 0 : i32
    return %add3A_0, %c0_i32 : i32, i32
  }
  func.func @transform_4(%arg0: i32) -> (i32, i32) {
    %c0_i32 = arith.constant 0 : i32
    %c0_i32_0 = arith.constant 0 : i32
    return %arg0, %c0_i32 : i32, i32
  }
  func.func @transform_5(%arg0: i32) -> (i32, i32) {
    %c0_i32 = arith.constant 0 : i32
    %c0_i32_0 = arith.constant 0 : i32
    %c0_i32_1 = arith.constant 0 : i32
    return %c0_i32, %c0_i32_0 : i32, i32
  }
  func.func @transform_6(%arg0: i32) -> (i32, i32) {
    %c0_i32 = arith.constant 0 : i32
    %c0_i32_0 = arith.constant 0 : i32
    return %arg0, %c0_i32 : i32, i32
  }
}

module attributes {stable_mosaic.version = 14 : i64} {
  func.func @_mm_scale_body(%arg0: i32, %arg1: i32, %arg2: memref<400x256xf32, #tpu.memory_space<vmem>>, %arg3: memref<256x128xf32, #tpu.memory_space<vmem>>, %arg4: memref<400x16xf32, #tpu.memory_space<vmem>>, %arg5: memref<400x128xf32, #tpu.memory_space<vmem>>) attributes {dimension_semantics = [#tpu.dimension_semantics<arbitrary>, #tpu.dimension_semantics<arbitrary>], iteration_bounds = array<i64: 2, 25>, scalar_prefetch = 0 : i64, scratch_operands = 0 : i64, tpu.core_type = #tpu.core_type<tc>, window_params = [{transform_indices = @transform_0, window_bounds = array<i64: 400, 256>}, {transform_indices = @transform_1, window_bounds = array<i64: 256, 128>}, {transform_indices = @transform_2, window_bounds = array<i64: 400, 16>}, {transform_indices = @transform_3, window_bounds = array<i64: 400, 128>}]} {
    %get3A = arith.constant 0 : index
    %get3A_0 = arith.constant 0 : index
    %get3A_1 = vector.load %arg4[%get3A, %get3A_0] : memref<400x16xf32, #tpu.memory_space<vmem>>, vector<400x1xf32>
    %add3A = arith.constant 1.000000e+00 : f32
    %add3A_2 = vector.broadcast %add3A : f32 to vector<400x1xf32>
    %add3A_3 = arith.addf %get3A_1, %add3A_2 : vector<400x1xf32>
    %rsqrt3A = math.rsqrt %add3A_3 : vector<400x1xf32>
    %get3A_4 = arith.constant 0 : index
    %get3A_5 = arith.constant 0 : index
    %get3A_6 = vector.load %arg2[%get3A_4, %get3A_5] : memref<400x256xf32, #tpu.memory_space<vmem>>, vector<400x256xf32>
    %get3A_7 = arith.constant 0 : index
    %get3A_8 = arith.constant 0 : index
    %get3A_9 = vector.load %arg3[%get3A_7, %get3A_8] : memref<256x128xf32, #tpu.memory_space<vmem>>, vector<256x128xf32>
    %dot_general3A = arith.constant dense<0.000000e+00> : vector<400x128xf32>
    %dot_general3A_10 = tpu.matmul %get3A_6, %get3A_9, %dot_general3A {dimension_numbers = #tpu.dot_dimension_numbers<[1], [0], [0], [1], [0, 0, 1, 1], [], []>, transpose_lhs_hint = false} : vector<400x256xf32>, vector<256x128xf32>, vector<400x128xf32> -> vector<400x128xf32>
    %mul3A = vector.broadcast %rsqrt3A : vector<400x1xf32> to vector<400x128xf32>
    %mul3A_11 = arith.mulf %dot_general3A_10, %mul3A : vector<400x128xf32>
    %swap3A = arith.constant 0 : index
    %swap3A_12 = arith.constant 0 : index
    %swap3A_13 = vector.load %arg5[%swap3A, %swap3A_12] : memref<400x128xf32, #tpu.memory_space<vmem>>, vector<400x128xf32>
    tpu.vector_store %arg5[%swap3A, %swap3A_12], %mul3A_11 {strides = array<i32>} : memref<400x128xf32, #tpu.memory_space<vmem>>, vector<400x128xf32>,
    return
  }
  func.func @transform_0(%arg0: i32, %arg1: i32) -> (i32, i32) {
    %c0_i32 = arith.constant 0 : i32
    %c0_i32_0 = arith.constant 0 : i32
    return %arg1, %c0_i32 : i32, i32
  }
  func.func @transform_1(%arg0: i32, %arg1: i32) -> (i32, i32) {
    %c0_i32 = arith.constant 0 : i32
    %c0_i32_0 = arith.constant 0 : i32
    return %c0_i32, %arg0 : i32, i32
  }
  func.func @transform_2(%arg0: i32, %arg1: i32) -> (i32, i32) {
    %c0_i32 = arith.constant 0 : i32
    %c0_i32_0 = arith.constant 0 : i32
    return %arg1, %c0_i32 : i32, i32
  }
  func.func @transform_3(%arg0: i32, %arg1: i32) -> (i32, i32) {
    %mul3A = arith.constant 25 : i32
    %mul3A_0 = arith.muli %arg0, %mul3A : i32
    %add3A = arith.addi %mul3A_0, %arg1 : i32
    %c0_i32 = arith.constant 0 : i32
    %c0_i32_1 = arith.constant 0 : i32
    return %add3A, %c0_i32 : i32, i32
  }
}

module attributes {stable_mosaic.version = 14 : i64} {
  func.func @_pool_body(%arg0: i32, %arg1: memref<400x256xf32, #tpu.memory_space<vmem>>, %arg2: memref<400x1xi32, #tpu.memory_space<vmem>>, %arg3: memref<256x256xf32, #tpu.memory_space<vmem>>, %arg4: memref<256x16xf32, #tpu.memory_space<vmem>>) attributes {dimension_semantics = [#tpu.dimension_semantics<arbitrary>], iteration_bounds = array<i64: 25>, scalar_prefetch = 0 : i64, scratch_operands = 0 : i64, tpu.core_type = #tpu.core_type<tc>, window_params = [{transform_indices = @transform_0, window_bounds = array<i64: 400, 256>}, {transform_indices = @transform_1, window_bounds = array<i64: 400, 1>}, {pipeline_mode = #tpu.pipeline_mode<synchronous>, transform_indices = @transform_2, window_bounds = array<i64: 256, 256>}, {pipeline_mode = #tpu.pipeline_mode<synchronous>, transform_indices = @transform_3, window_bounds = array<i64: 256, 16>}]} {
    %eq3A = arith.constant 0 : i32
    %eq3A_0 = arith.cmpi eq, %arg0, %eq3A : i32
    %convert_element_type3A = arith.extui %eq3A_0 : i1 to i32
    %cond3A = arith.constant 0 : i32
    %cond3A_1 = arith.cmpi ne, %convert_element_type3A, %cond3A : i32
    scf.if %cond3A_1 {
      %broadcast_in_dim3A_29 = arith.constant 0.000000e+00 : f32
      %broadcast_in_dim3A_30 = vector.broadcast %broadcast_in_dim3A_29 : f32 to vector<256x256xf32>
      %swap3A_31 = arith.constant 0 : index
      %swap3A_32 = arith.constant 0 : index
      %swap3A_33 = vector.load %arg3[%swap3A_31, %swap3A_32] : memref<256x256xf32, #tpu.memory_space<vmem>>, vector<256x256xf32>
      tpu.vector_store %arg3[%swap3A_31, %swap3A_32], %broadcast_in_dim3A_30 {strides = array<i32>} : memref<256x256xf32, #tpu.memory_space<vmem>>, vector<256x256xf32>,
      %broadcast_in_dim3A_34 = arith.constant 0.000000e+00 : f32
      %broadcast_in_dim3A_35 = vector.broadcast %broadcast_in_dim3A_34 : f32 to vector<256x16xf32>
      %swap3A_36 = arith.constant 0 : index
      %swap3A_37 = arith.constant 0 : index
      %swap3A_38 = vector.load %arg4[%swap3A_36, %swap3A_37] : memref<256x16xf32, #tpu.memory_space<vmem>>, vector<256x16xf32>
      tpu.vector_store %arg4[%swap3A_36, %swap3A_37], %broadcast_in_dim3A_35 {strides = array<i32>} : memref<256x16xf32, #tpu.memory_space<vmem>>, vector<256x16xf32>,
    } else {
    }
    %get3A = arith.constant 0 : index
    %get3A_2 = arith.constant 0 : index
    %get3A_3 = vector.load %arg2[%get3A, %get3A_2] : memref<400x1xi32, #tpu.memory_space<vmem>>, vector<400x1xi32>
    %get3A_4 = vector.shape_cast %get3A_3 : vector<400x1xi32> to vector<400xi32>
    %iota3A = tpu.iota {dimensions = array<i32: 0>} : vector<256x400xi32>
    %broadcast_in_dim3A = vector.shape_cast %get3A_4 : vector<400xi32> to vector<1x400xi32>
    %eq3A_5 = vector.broadcast %broadcast_in_dim3A : vector<1x400xi32> to vector<256x400xi32>
    %eq3A_6 = arith.cmpi eq, %iota3A, %eq3A_5 : vector<256x400xi32>
    %convert_element_type3A_7 = arith.extui %eq3A_6 : vector<256x400xi1> to vector<256x400xi32>
    %convert_element_type3A_8 = arith.sitofp %convert_element_type3A_7 : vector<256x400xi32> to vector<256x400xf32>
    %get3A_9 = arith.constant 0 : index
    %get3A_10 = arith.constant 0 : index
    %get3A_11 = vector.load %arg3[%get3A_9, %get3A_10] : memref<256x256xf32, #tpu.memory_space<vmem>>, vector<256x256xf32>
    %get3A_12 = arith.constant 0 : index
    %get3A_13 = arith.constant 0 : index
    %get3A_14 = vector.load %arg1[%get3A_12, %get3A_13] : memref<400x256xf32, #tpu.memory_space<vmem>>, vector<400x256xf32>
    %dot_general3A = arith.constant dense<0.000000e+00> : vector<256x256xf32>
    %dot_general3A_15 = tpu.matmul %convert_element_type3A_8, %get3A_14, %dot_general3A {dimension_numbers = #tpu.dot_dimension_numbers<[1], [0], [0], [1], [0, 0, 1, 1], [], []>, transpose_lhs_hint = false} : vector<256x400xf32>, vector<400x256xf32>, vector<256x256xf32> -> vector<256x256xf32>
    %add3A = arith.addf %get3A_11, %dot_general3A_15 : vector<256x256xf32>
    %swap3A = arith.constant 0 : index
    %swap3A_16 = arith.constant 0 : index
    %swap3A_17 = vector.load %arg3[%swap3A, %swap3A_16] : memref<256x256xf32, #tpu.memory_space<vmem>>, vector<256x256xf32>
    tpu.vector_store %arg3[%swap3A, %swap3A_16], %add3A {strides = array<i32>} : memref<256x256xf32, #tpu.memory_space<vmem>>, vector<256x256xf32>,
    %reduce_sum3A = arith.constant dense<0.000000e+00> : vector<256xf32>
    %reduce_sum3A_18 = vector.multi_reduction <add>, %convert_element_type3A_8, %reduce_sum3A [1] : vector<256x400xf32> to vector<256xf32>
    %broadcast_in_dim3A_19 = vector.shape_cast %reduce_sum3A_18 : vector<256xf32> to vector<256x1xf32>
    %get3A_20 = arith.constant 0 : index
    %get3A_21 = arith.constant 0 : index
    %get3A_22 = vector.load %arg4[%get3A_20, %get3A_21] : memref<256x16xf32, #tpu.memory_space<vmem>>, vector<256x16xf32>
    %broadcast_in_dim3A_23 = vector.shape_cast %broadcast_in_dim3A_19 : vector<256x1xf32> to vector<256x1xf32>
    %broadcast_in_dim3A_24 = vector.broadcast %broadcast_in_dim3A_23 : vector<256x1xf32> to vector<256x16xf32>
    %add3A_25 = arith.addf %get3A_22, %broadcast_in_dim3A_24 : vector<256x16xf32>
    %swap3A_26 = arith.constant 0 : index
    %swap3A_27 = arith.constant 0 : index
    %swap3A_28 = vector.load %arg4[%swap3A_26, %swap3A_27] : memref<256x16xf32, #tpu.memory_space<vmem>>, vector<256x16xf32>
    tpu.vector_store %arg4[%swap3A_26, %swap3A_27], %add3A_25 {strides = array<i32>} : memref<256x16xf32, #tpu.memory_space<vmem>>, vector<256x16xf32>,
    return
  }
  func.func @transform_0(%arg0: i32) -> (i32, i32) {
    %c0_i32 = arith.constant 0 : i32
    %c0_i32_0 = arith.constant 0 : i32
    return %arg0, %c0_i32 : i32, i32
  }
  func.func @transform_1(%arg0: i32) -> (i32, i32) {
    %c0_i32 = arith.constant 0 : i32
    %c0_i32_0 = arith.constant 0 : i32
    return %arg0, %c0_i32 : i32, i32
  }
  func.func @transform_2(%arg0: i32) -> (i32, i32) {
    %c0_i32 = arith.constant 0 : i32
    %c0_i32_0 = arith.constant 0 : i32
    %c0_i32_1 = arith.constant 0 : i32
    return %c0_i32, %c0_i32_0 : i32, i32
  }
  func.func @transform_3(%arg0: i32) -> (i32, i32) {
    %c0_i32 = arith.constant 0 : i32
    %c0_i32_0 = arith.constant 0 : i32
    %c0_i32_1 = arith.constant 0 : i32
    return %c0_i32, %c0_i32_0 : i32, i32
  }
}

module attributes {stable_mosaic.version = 14 : i64} {
  func.func @_head_body(%arg0: memref<256x256xf32, #tpu.memory_space<vmem>>, %arg1: memref<256x16xf32, #tpu.memory_space<vmem>>, %arg2: memref<256x256xf32, #tpu.memory_space<vmem>>, %arg3: memref<1x256xf32, #tpu.memory_space<vmem>>, %arg4: memref<256x1xf32, #tpu.memory_space<vmem>>, %arg5: memref<1x1xf32, #tpu.memory_space<vmem>>, %arg6: memref<256x1xf32, #tpu.memory_space<vmem>>) attributes {dimension_semantics = [], scalar_prefetch = 0 : i64, scratch_operands = 0 : i64, tpu.core_type = #tpu.core_type<tc>} {
    %get3A = arith.constant 0 : index
    %get3A_0 = arith.constant 0 : index
    %get3A_1 = vector.load %arg0[%get3A, %get3A_0] : memref<256x256xf32, #tpu.memory_space<vmem>>, vector<256x256xf32>
    %get3A_2 = arith.constant 0 : index
    %get3A_3 = arith.constant 0 : index
    %get3A_4 = vector.load %arg1[%get3A_2, %get3A_3] : memref<256x16xf32, #tpu.memory_space<vmem>>, vector<256x1xf32>
    %max3A = arith.constant 1.000000e+00 : f32
    %max3A_5 = vector.broadcast %max3A : f32 to vector<256x1xf32>
    %max3A_6 = arith.maximumf %get3A_4, %max3A_5 : vector<256x1xf32>
    %div3A = vector.broadcast %max3A_6 : vector<256x1xf32> to vector<256x256xf32>
    %div3A_7 = arith.divf %get3A_1, %div3A : vector<256x256xf32>
    %get3A_8 = arith.constant 0 : index
    %get3A_9 = arith.constant 0 : index
    %get3A_10 = vector.load %arg2[%get3A_8, %get3A_9] : memref<256x256xf32, #tpu.memory_space<vmem>>, vector<256x256xf32>
    %dot_general3A = arith.constant dense<0.000000e+00> : vector<256x256xf32>
    %dot_general3A_11 = tpu.matmul %div3A_7, %get3A_10, %dot_general3A {dimension_numbers = #tpu.dot_dimension_numbers<[1], [0], [0], [1], [0, 0, 1, 1], [], []>, transpose_lhs_hint = false} : vector<256x256xf32>, vector<256x256xf32>, vector<256x256xf32> -> vector<256x256xf32>
    %get3A_12 = arith.constant 0 : index
    %get3A_13 = arith.constant 0 : index
    %get3A_14 = vector.load %arg3[%get3A_12, %get3A_13] : memref<1x256xf32, #tpu.memory_space<vmem>>, vector<1x256xf32>
    %add3A = vector.broadcast %get3A_14 : vector<1x256xf32> to vector<256x256xf32>
    %add3A_15 = arith.addf %dot_general3A_11, %add3A : vector<256x256xf32>
    %max3A_16 = arith.constant 0.000000e+00 : f32
    %max3A_17 = vector.broadcast %max3A_16 : f32 to vector<256x256xf32>
    %max3A_18 = arith.maximumf %add3A_15, %max3A_17 : vector<256x256xf32>
    %get3A_19 = arith.constant 0 : index
    %get3A_20 = arith.constant 0 : index
    %get3A_21 = vector.load %arg4[%get3A_19, %get3A_20] : memref<256x1xf32, #tpu.memory_space<vmem>>, vector<256x1xf32>
    %dot_general3A_22 = arith.constant dense<0.000000e+00> : vector<256x1xf32>
    %dot_general3A_23 = tpu.matmul %max3A_18, %get3A_21, %dot_general3A_22 {dimension_numbers = #tpu.dot_dimension_numbers<[1], [0], [0], [1], [0, 0, 1, 1], [], []>, transpose_lhs_hint = false} : vector<256x256xf32>, vector<256x1xf32>, vector<256x1xf32> -> vector<256x1xf32>
    %get3A_24 = arith.constant 0 : index
    %get3A_25 = arith.constant 0 : index
    %get3A_26 = vector.load %arg5[%get3A_24, %get3A_25] : memref<1x1xf32, #tpu.memory_space<vmem>>, vector<1x1xf32>
    %add3A_27 = vector.broadcast %get3A_26 : vector<1x1xf32> to vector<256x1xf32>
    %add3A_28 = arith.addf %dot_general3A_23, %add3A_27 : vector<256x1xf32>
    %swap3A = arith.constant 0 : index
    %swap3A_29 = arith.constant 0 : index
    %swap3A_30 = vector.load %arg6[%swap3A, %swap3A_29] : memref<256x1xf32, #tpu.memory_space<vmem>>, vector<256x1xf32>
    tpu.vector_store %arg6[%swap3A, %swap3A_29], %add3A_28 {strides = array<i32>} : memref<256x1xf32, #tpu.memory_space<vmem>>, vector<256x1xf32>,
    return
  }
}

</mosaic_0001>

<sc_bundles>
// kernel: kernel.14.cloned.1.call-start
scs
__scs_entry_jumppad:
0x0: {  	(pc) =	sbr.rel $0x88, $3  }
0x1: {  	(tag) =	ssettag $0x0;
	lr =	simm.s32 $0x1  }
0x2: {  	[smem:$0x3F94] =	sst lr;
	_ =	strace $0xD0000000  }
0x3: {  	_ = 	snop  }
0x4: {  	_ = 	snop  }
0x5: {  	_ = 	snop  }
0x6: {  	_ = 	snop  }
0x7: {  	_ = 	snop  }
__scs_overlays_trampoline_lowered:
0x8: {  	[smem:$0x3FA3] =	sst s0  }
0x9: {  	[smem:$0x3FA4] =	sst s1  }
0xa: {  	[smem:$0x3FA5] =	sst s2  }
0xb: {  	[smem:$0x3FA6] =	sst s3  }
0xc: {  	[smem:$0x3FA7] =	sst s4  }
0xd: {  	[smem:$0x3FA8] =	sst s5  }
0xe: {  	[smem:$0x3FA9] =	sst s6  }
0xf: {  	[smem:$0x3FAA] =	sst s7  }
0x10: {  	[smem:$0x3FAB] =	sst s8  }
0x11: {  	[smem:$0x3FAC] =	sst s9;
	s0 =	simm.s32 @!p0 $0x0  }
0x12: {  	s1 =	sld [smem:$0x3F92];
	s0 =	simm.s32 @p0 $0x1  }
0x13: {  	[smem:$0x3FAD] =	sst s0;
	s0 =	simm.s32 @!p1 $0x0  }
0x14: {  	s2 =	sld [smem:$0x3F91];
	s0 =	simm.s32 @p1 $0x1  }
0x15: {  	[smem:$0x3FAE] =	sst s0;
	s0 =	simm.s32 @!p2 $0x0  }
0x16: {  	s3 =	sld [smem:$0x3FDB];
	s0 =	simm.s32 @p2 $0x1  }
0x17: {  	s4 =	simm.s32 $0x1BF5;
	[smem:$0x3FB0] =	sst s0  }
0x18: {  	s0 =	sld [smem:$0x3F93];
	_ =	swait.ge [sflag:s4], $0x0  }
0x19: {  	s7 =	sld [smem:$0x3F94]  }
0x1a: {  	s8 =	sadd.s32 $0xFFFFE003, lr  }
0x1b: {  	s9 =	sadd.s32 $0xFFFFFEF7, lr;
	s5 =	simm.s32 $0xFFFFFFFF;
	p2 =	slt.u32 s8, $0xFFFFF086  }
0x1c: {  	p1 =	slt.u32 s9, $0xF7A;
	s5 =	simm.s32 @!p2 $0x0  }
0x1d: {  	s5 =	simm.s32 @p1 $0x1;
	p0 =	seq.s32 s7, s2  }
0x1e: {  	s7 =	smul.u32 @!p0 $0xF7A, s2;
	p2 =	seq.s32 @!p0 s5, $0x0  }
0x1f: {  	s9 =	smul.u32 $0xF7A, s1;
	s8 =	simm.s32 @!p0 $0x1BF5;
	p2 =	por !p2, p0  }
0x20: {  	[sflag:s8] =	ssyncset.s32 @!p0 $0xFFFFF086;
	s6 =	sadd.s32 @!p0 s3, s7;
	s7 =	simm.s32 @!p0 $0x108  }
0x21: {  	s3 =	sadd.s32 s3, s9;
	s6 =	sadd.s32 @!p0 $0x88, s6;
	s7 =	simm.s32 @p2 $0x1082  }
0x22: {  	[simem:s7], [sflag:s8] =	dma.local @!p0 [hbm:s6], $0xF7A  }
0x23: {  	s9 =	sor.u32 $0xD0000000, s2;
	s6 =	simm.s32 $0x108;
	_ =	swait.ge @!p0 [sflag:s8], $0x0  }
0x24: {  	s3 =	sadd.s32 $0x88, s3;
	s6 =	simm.s32 @!p1 $0x1082;
	[sflag:s4] =	ssyncset.s32 $0xFFFFF086  }
0x25: {  	[simem:s6], [sflag:s4] =	dma.local [hbm:s3], $0xF7A  }
0x26: {  	[smem:$0x3F94] =	sst s1;
	(tag) =	ssettag s2;
	_ =	strace s9  }
0x27: {  	s1 =	sld [smem:$0x3FA4]  }
0x28: {  	s2 =	sld [smem:$0x3FA5]  }
0x29: {  	s4 =	sld [smem:$0x3FA7]  }
0x2a: {  	p0 =	seq.s32 s5, $0x0;
	s5 =	sld [smem:$0x3FA8]  }
0x2b: {  	s6 =	sld [smem:$0x3FA9]  }
0x2c: {  	s7 =	sld [smem:$0x3FAA]  }
0x2d: {  	s3 =	simm.s32 $0x108;
	s8 =	sld [smem:$0x3FAB]  }
0x2e: {  	s3 =	simm.s32 @!p0 $0x1082;
	s9 =	sld [smem:$0x3FAC]  }
0x2f: {  	lr =	sadd.s32 s0, s3;
	s0 =	sld [smem:$0x3FA3]  }
0x30: {  	s3 =	sld [smem:$0x3FA6]  }
0x31: {  	[smem:$0x3FAF] =	sst s10  }
0x32: {  	s10 =	sld [smem:$0x3FAD];
	_ =	sdelay $0x3  }
0x33: {  	p0 =	seq.s32 s10, $0x1;
	s10 =	sld [smem:$0x3FAF];
	_ =	sdelay $0x3  }
0x34: {  	[smem:$0x3FAF] =	sst s10  }
0x35: {  	s10 =	sld [smem:$0x3FAE];
	_ =	sdelay $0x3  }
0x36: {  	p1 =	seq.s32 s10, $0x1;
	s10 =	sld [smem:$0x3FAF];
	_ =	sdelay $0x3  }
0x37: {  	[smem:$0x3FAF] =	sst s10  }
0x38: {  	s10 =	sld [smem:$0x3FB0]  }
0x39: {  	_ = 	snop;
	(pc) =	sbr.ind lr, $3  }
0x3a: {  	_ = 	snop  }
0x3b: {  	_ = 	snop  }
0x3c: {  	p2 =	seq.s32 s10, $0x1;
	s10 =	sld [smem:$0x3FAF]  }
0x3d: {  	_ =	shalt  }
0x3e: {  	_ =	shalt  }
0x3f: {  	_ =	shalt  }
0x40: {  	_ =	shalt  }
0x41: {  	_ =	shalt  }
0x42: {  	_ =	shalt  }
0x43: {  	_ =	shalt  }
0x44: {  	_ =	shalt  }
0x45: {  	_ =	shalt  }
0x46: {  	_ =	shalt  }
0x47: {  	_ =	shalt  }
0x48: {  	_ =	shalt  }
0x49: {  	_ =	shalt  }
0x4a: {  	_ =	shalt  }
0x4b: {  	_ =	shalt  }
0x4c: {  	_ =	shalt  }
0x4d: {  	_ =	shalt  }
0x4e: {  	_ =	shalt  }
0x4f: {  	_ =	shalt  }
0x50: {  	_ =	shalt  }
0x51: {  	_ =	shalt  }
0x52: {  	_ =	shalt  }
0x53: {  	_ =	shalt  }
0x54: {  	_ =	shalt  }
0x55: {  	_ =	shalt  }
0x56: {  	_ =	shalt  }
0x57: {  	_ =	shalt  }
0x58: {  	_ =	shalt  }
0x59: {  	_ =	shalt  }
0x5a: {  	_ =	shalt  }
0x5b: {  	_ =	shalt  }
0x5c: {  	_ =	shalt  }
0x5d: {  	_ =	shalt  }
0x5e: {  	_ =	shalt  }
0x5f: {  	_ =	shalt  }
0x60: {  	_ =	shalt  }
0x61: {  	_ =	shalt  }
0x62: {  	_ =	shalt  }
0x63: {  	_ =	shalt  }
0x64: {  	_ =	shalt  }
0x65: {  	_ =	shalt  }
0x66: {  	_ =	shalt  }
0x67: {  	_ =	shalt  }
0x68: {  	_ =	shalt  }
0x69: {  	_ =	shalt  }
0x6a: {  	_ =	shalt  }
0x6b: {  	_ =	shalt  }
0x6c: {  	_ =	shalt  }
0x6d: {  	_ =	shalt  }
0x6e: {  	_ =	shalt  }
0x6f: {  	_ =	shalt  }
0x70: {  	_ =	shalt  }
0x71: {  	_ =	shalt  }
0x72: {  	_ =	shalt  }
0x73: {  	_ =	shalt  }
0x74: {  	_ =	shalt  }
0x75: {  	_ =	shalt  }
0x76: {  	_ =	shalt  }
0x77: {  	_ =	shalt  }
0x78: {  	_ =	shalt  }
0x79: {  	_ =	shalt  }
0x7a: {  	_ =	shalt  }
0x7b: {  	_ =	shalt  }
0x7c: {  	_ =	shalt  }
0x7d: {  	_ =	shalt  }
0x7e: {  	_ =	shalt  }
0x7f: {  	_ =	shalt  }
0x80: {  	_ =	shalt  }
0x81: {  	_ =	shalt  }
0x82: {  	_ =	shalt  }
0x83: {  	_ =	shalt  }
0x84: {  	_ =	shalt  }
0x85: {  	_ =	shalt  }
0x86: {  	_ =	shalt  }
0x87: {  	_ =	shalt  }
.Lfunc_end0:
.L_simem_size_0:
called_computation_lowered:
.L_overlay_start_0:
0x88: {  	s2 =	sld [smem:$0x3FD9]  }
0x89: {  	s3 =	sld [smem:$0x3FFE];
	_ =	sdelay $0x1  }
0x8a: {  	s1 =	srdreg.scid  }
0x8b: {  	s0 =	sand.u32 $0x1, s1  }
0x8c: {  	s16 =	sshll.u32 s0, $0xA;
	s2 =	sadd.s32 s3, s2  }
0x8d: {  	s2 =	sadd.s32 s2, s16  }
0x8e: {  	[smem:$0x3FBB] =	sst s2  }
0x8f: {  	_ = 	snop  }
0x90: {  	(tm) =	ssettm $0x1  }
0x91: {  	s17 =	sld [smem:$0x3FFB];
	_ =	sdelay $0x3  }
0x92: {  	_ =	strace s17  }
0x93: {  	s2 =	sld [smem:$0x3FFC];
	_ =	sdelay $0x3  }
0x94: {  	_ =	strace s2  }
0x95: {  	s2 =	sld [smem:$0x3FFD];
	_ =	sdelay $0x3  }
0x96: {  	_ =	strace s2  }
0x97: {  	_ =	strace $0x8FFFFFFF  }
0x98: {  	s18 =	sld [smem:$0x3FDB];
	_ =	sdelay $0x1  }
0x99: {  	s19 =	simm.s32 $_scs_section_size  }
0x9a: {  	s4 =	simm.s32 $_size__tile_overlayer_lowered;
	s5 =	simm.s32 $_tile_overlayer_lowered  }
0x9b: {  	s22 =	simm.s32 $0x1BFF;
	s21 =	sshll.u32 s5, $0x1;
	s2 =	sadd.s32 s19, s18  }
0x9c: {  	s6 =	simm.s32 $0x0;
	s20 =	sshll.u32 s4, $0x1;
	s4 =	sadd.s32 s21, s2  }
0x9d: {  	[timem:s6], [sflag:s22] =	dma.local [hbm:s4], s20  }
0x9e: {  	_ =	swait.ge [sflag:s22], s20  }
0x9f: {  	s3 =	ssub.s32 $0x0, s20;
	[sflag:s22] =	ssyncset.done $0x0  }
0xa0: {  	[sflag:s22] =	ssyncadd.s32 s3;
	_ =	sdelay $0x1  }
0xa1: {  	s23 =	simm.s32 $0x1B8B  }
0xa2: {  	_ =	swait.ge [sflag:s23], $0x1  }
0xa3: {  	[sflag:s23] =	ssyncset.done $0x0  }
0xa4: {  	s25 =	simm.s32 $0x1B8E;
	s24 =	sld [smem:$0x3FFE];
	[sflag:s23] =	ssyncadd.s32 $0xFFFFFFFF  }
0xa5: {  	s26 =	simm.s32 $execute0_lowered;
	[smem:$0x3FD2] =	sst s25  }
0xa6: {  	s4 =	sshll.u32 s26, $0x1;
	_ =	strace $0x80000046;
	[dreg:$0x1] =	wrdreg $0xFFFFFFFF  }
0xa7: {  	s28 =	simm.s32 $_size_execute0_lowered;
	s2 =	sadd.s32 s2, s4;
	[dreg:$0x0] =	wrdreg $0x0  }
0xa8: {  	s4 =	sshll.u32 s28, $0x1;
	[dreg:$0x2] =	wrdreg s2  }
0xa9: {  	[dreg:$0x3] =	wrdreg s4  }
0xaa: {  	[dreg:$0x4] =	wrdreg $0xC0  }
0xab: {  	_ =	task [dreg:s6], $0x5FFFF  }
0xac: {  	[dreg:$0x1] =	wrdreg $0xFFFFFFFF  }
0xad: {  	[dreg:$0x0] =	wrdreg $0x60  }
0xae: {  	[dreg:$0x2] =	wrdreg s24  }
0xaf: {  	[dreg:$0x3] =	wrdreg $0x29000  }
0xb0: {  	[dreg:$0x4] =	wrdreg $0x9  }
0xb1: {  	_ =	task.clear_ibuf [dreg:s6], $0x5FFFF;
	_ =	strace $0x90000046  }
0xb2: {  	s29 =	simm.s32 $0x9;
	_ =	strace $0x80000048  }
0xb3: {  	_ =	swait.ge [sflag:s29], $0x1  }
0xb4: {  	[sflag:s29] =	ssyncadd.s32 $0xFFFFFFFF  }
0xb5: {  	_ =	strace $0x90000048  }
0xb6: {  	_ =	sfence  }
0xb7: {  	s30 =	sld [smem:$0x0];
	_ =	sdelay $0x2  }
0xb8: {  	s31 =	sshll.u32 s1, $0xD;
	s1 =	sshrl.u32 s1, $0x2  }
0xb9: {  	s3 =	sand.u32 $0x4000, s31;
	s1 =	sadd.s32 s1, s30  }
0xba: {  	s0 =	sor.u32 s3, s0;
	s1 =	sshll.u32 s1, $0x11  }
0xbb: {  	s0 =	sor.u32 s1, s0  }
0xbc: {  	s0 =	sadd.s32 $0x8F2B, s0  }
0xbd: {  	[sflag:s0] =	ssyncadd.remote.s32 $0x1  }
0xbe: {  	_ =	sfence.sel $0xFFFF  }
0xbf: {  	[dreg:$0x0] =	wrdreg $0xFFFFFFFF;
	(pc) =	sbr.abs _section_cstart, $3  }
0xc0: {  	[dreg:$0x1] =	wrdreg $0xFFFFFFFF  }
0xc1: {  	_ =	task.clear_ibuf [dreg:s6], $0x2FFFF;
	_ =	strace $0x9FFFFFFF  }
0xc2: {  	(tm) =	ssettm $0x7FFFFFFF  }
0xc3: {  	_ =	shalt  }
tec
execute0_lowered:
.L_overlay_start_1:
0x0: {  	(tag) =	ssettag $0x1  }
0x1: {  	s0 =	srdreg.scid  }
0x2: {  	s12 =	stileid.u32;
	s6 =	rddreg [dreg:$0x0]  }
0x3: {  	s1 =	rddreg [dreg:$0x1];
	s3 =	smul.u32 $0x4E20, s12  }
0x4: {  	s2 =	simm.s32 $0x0;
	s18 =	simm.s32 $0x1;
	s26 =	smul.u32 $0x9C4, s12  }
0x5: {  	s4 =	sand.u32 $0x1, s0;
	s0 =	rddreg [dreg:$0x2];
	s7 =	smul.u32 $0x2700, s12  }
0x6: {  	s19 =	simm.s32 $0x0;
	[smem:$0x7FF] =	sst s2;
	s8 =	smul.u32 $0x4E000, s12  }
0x7: {  	s13 =	sadd.s32 $0x95600, s6;
	s31 =	sshll.u32 s12, $0x6;
	s5 =	smul.u32 $0x4E200, s4  }
0x8: {  	s17 =	sadd.s32 $0x138000, s1;
	p0 =	sne.s32 s12, $0x0;
	s30 =	smul.u32 $0x138800, s4  }
0x9: {  	_ =	strace $0x80000047;
	s28 =	ssub.s32 $0x2, s4;
	s16 =	smul.u32 $0x27100, s4  }
0xa: {  	s10 =	sadd.s32 s26, s6;
	s9 =	sadd.s32 s7, s6;
	s14 =	sshrl.u32 s28, $0x1  }
0xb: {  	s29 =	sshrl.u32 s8, $0x2;
	s3 =	sadd.s32 s3, s5;
	s14 =	ssub.s32 s28, s14  }
0xc: {  	s15 =	sadd.s32 s29, s1;
	s4 =	sadd.s32 $0x20200, s9;
	s5 =	sor.u32 $0x1C02, s31  }
0xd: {  	s8 =	sshrl.u32 s30, $0x3;
	s7 =	sadd.s32 s7, s16;
	s10 =	sadd.s32 $0x2A00, s10  }
0xe: {  	s16 =	simm.s32 $0x50;
	s3 =	sshrl.u32 s3, $0x3;
	s8 =	sadd.s32 s13, s8  }
0xf: {  	s7 =	sadd.s32 s13, s7;
	s9 =	smax.u32 s14, $0x1;
	s12 =	sshrl.u32 s15, $0x3  }
0x10: {  	s13 =	simm.s32 $0x2;
	s14 =	sshrl.u32 @!p0 s17, $0x3;
	s15 =	simm.s32 $0x80  }
0x11: {  	s17 =	simm.s32 $0x100;
	s11 =	sadd.s32 s3, s6;
	s3 =	sadd.s32 $0x47400, s6  }
0x12: {  	s6 =	sadd.s32 $0x47200, s6;
	s8 =	sadd.s32 $0x27000, s8;
	s11 =	sadd.s32 $0xC800, s11  }
.LBB2_1:
0x13: {  	[spmem:s12], [sflag:s5] =	dma.local [hbm:s4], $0x2700  }
0x14: {  	_ =	swait.ge [sflag:s13], $0x2700  }
0x15: {  	[sflag:s13] =	ssyncset.done $0x0  }
0x16: {  	s20 =	simm.s32 @!p0 $0x2;
	[sflag:s13] =	ssyncadd.s32 $0xFFFFD900  }
0x17: {  	[spmem:s14], [sflag:s5] =	dma.local @!p0 [hbm:s6], $0x100  }
0x18: {  	_ =	swait.ge @!p0 [sflag:s20], $0x100  }
0x19: {  	[sflag:s20] =	ssyncset.done @!p0 $0x0  }
0x1a: {  	[sflag:s20] =	ssyncadd.s32 @!p0 $0xFFFFFF00  }
0x1b: {  	s30 =	sadd.s32 $0x0, s11;
	[bflag:$0x0] =	sbarrier.arrive $0xFFFF  }
0x1c: {  	[tilespmem:s2], [sflag:$0x2] =	stream.linear.gather [hbm4b:s30+s2], $0x50, $0x38;
	[tilespmem:$0x16180] =	vst v63  }
0x1d: {  	_ =	swait.ge [sflag:s13], $0x50  }
0x1e: {  	[sflag:s13] =	ssyncset.done $0x0  }
0x1f: {  	s31 =	sadd.s32 $0x0, s10;
	[sflag:s13] =	ssyncadd.s32 $0xFFFFFFB0  }
0x20: {  	[tilespmem:s15], [sflag:$0x2] =	stream.linear.gather [hbm4b:s31+s2], $0x50, $0x38;
	[tilespmem:$0x16180] =	vst v63  }
0x21: {  	_ =	swait.ge [sflag:s13], $0x50  }
0x22: {  	[sflag:s13] =	ssyncset.done $0x0  }
0x23: {  	[sflag:s13] =	ssyncadd.s32 $0xFFFFFFB0  }
0x24: {  	[tilespmem:s17], [sflag:$0x1] =	stream.indirect.gather [hbm4b:s3+s16], $0x80, s2, s16, $0xb8;
	[tilespmem:$0x16180] =	vst v63  }
0x25: {  	_ =	swait.ge [sflag:s18], $0x2800  }
0x26: {  	[sflag:s18] =	ssyncset.done $0x0  }
0x27: {  	[sflag:s18] =	ssyncadd.s32 $0xFFFFD800  }
0x28: {  	[spmem:s1] =	stream.indirect.scatter.add.f32 [tilespmem:s17], [sflag:$0x2], $0x80, s15, s16, $0xb8;
	[tilespmem:$0x16180] =	vst v63  }
0x29: {  	_ =	swait.ge [sflag:s13], $0x2800  }
0x2a: {  	s21 =	simm.s32 $0x14;
	s20 =	simm.s32 $0xA;
	[sflag:s13] =	ssyncset.done $0x0  }
.LBB2_2:
0x2b: {  	s22 =	sadd.s32 s20, s11  }
0x2c: {  	[sflag:s13] =	ssyncadd.s32 $0xFFFFD800;
	s23 =	smov.u32 s21;
	s24 =	sadd.s32 $0xA, s21  }
0x2d: {  	[tilespmem:s2], [sflag:$0x2] =	stream.linear.gather [hbm4b:s22+s2], $0x50, $0x38;
	[tilespmem:$0x16180] =	vst v63  }
0x2e: {  	p1 =	sne.s32 s21, $0x9BA;
	_ =	swait.ge [sflag:s13], $0x50  }
0x2f: {  	[sflag:s13] =	ssyncset.done $0x0  }
0x30: {  	s21 =	sadd.s32 s20, s10;
	s20 =	smov.u32 s23;
	[sflag:s13] =	ssyncadd.s32 $0xFFFFFFB0  }
0x31: {  	[tilespmem:s15], [sflag:$0x2] =	stream.linear.gather [hbm4b:s21+s2], $0x50, $0x38;
	[tilespmem:$0x16180] =	vst v63  }
0x32: {  	_ =	swait.ge [sflag:s13], $0x50  }
0x33: {  	[sflag:s13] =	ssyncset.done $0x0  }
0x34: {  	[sflag:s13] =	ssyncadd.s32 $0xFFFFFFB0  }
0x35: {  	[tilespmem:s17], [sflag:$0x1] =	stream.indirect.gather [hbm4b:s3+s16], $0x80, s2, s16, $0xb8;
	[tilespmem:$0x16180] =	vst v63  }
0x36: {  	_ =	swait.ge [sflag:s18], $0x2800  }
.Ltmp0:
0x37: {  	[sflag:s18] =	ssyncset.done $0x0;
	(pc) =	sbr.rel @p1 .LBB2_2-.Ltmp0, $4  }
0x38: {  	[sflag:s18] =	ssyncadd.s32 $0xFFFFD800  }
0x39: {  	[spmem:s1] =	stream.indirect.scatter.add.f32 [tilespmem:s17], [sflag:$0x2], $0x80, s15, s16, $0xb8;
	[tilespmem:$0x16180] =	vst v63  }
0x3a: {  	_ =	swait.ge [sflag:s13], $0x2800  }
0x3b: {  	s21 =	smov.u32 s24;
	[sflag:s13] =	ssyncset.done $0x0  }
0x3c: {  	s21 =	sadd.s32 s20, s11;
	[sflag:s13] =	ssyncadd.s32 $0xFFFFD800  }
0x3d: {  	[tilespmem:s2], [sflag:$0x2] =	stream.linear.gather [hbm4b:s21+s2], $0x50, $0x38;
	[tilespmem:$0x16180] =	vst v63  }
0x3e: {  	_ =	swait.ge [sflag:s13], $0x50  }
0x3f: {  	[sflag:s13] =	ssyncset.done $0x0  }
0x40: {  	s31 =	sadd.s32 s20, s10;
	[sflag:s13] =	ssyncadd.s32 $0xFFFFFFB0  }
0x41: {  	[tilespmem:s15], [sflag:$0x2] =	stream.linear.gather [hbm4b:s31+s2], $0x50, $0x38;
	[tilespmem:$0x16180] =	vst v63  }
0x42: {  	_ =	swait.ge [sflag:s13], $0x50  }
0x43: {  	[sflag:s13] =	ssyncset.done $0x0  }
0x44: {  	[sflag:s13] =	ssyncadd.s32 $0xFFFFFFB0  }
0x45: {  	[tilespmem:s17], [sflag:$0x1] =	stream.indirect.gather [hbm4b:s3+s16], $0x80, s2, s16, $0xb8;
	[tilespmem:$0x16180] =	vst v63  }
0x46: {  	_ =	swait.ge [sflag:s18], $0x2800  }
0x47: {  	[sflag:s18] =	ssyncset.done $0x0  }
0x48: {  	[sflag:s18] =	ssyncadd.s32 $0xFFFFD800  }
0x49: {  	[spmem:s1] =	stream.indirect.scatter.add.f32 [tilespmem:s17], [sflag:$0x2], $0x80, s15, s16, $0xb8;
	[tilespmem:$0x16180] =	vst v63  }
0x4a: {  	_ =	swait.ge [sflag:s13], $0x2800  }
0x4b: {  	[sflag:s13] =	ssyncset.done $0x0  }
0x4c: {  	[sflag:s13] =	ssyncadd.s32 $0xFFFFD800  }
0x4d: {  	[bflag:$0x0] =	sbarrier.arrive $0xFFFF  }
0x4e: {  	[hbm:s7], [sflag:s5] =	dma.local [spmem:s12], $0x2700  }
0x4f: {  	s19 =	sadd.s32 $0x1, s19;
	_ =	swait.ge [sflag:s13], $0x2700  }
0x50: {  	p1 =	sne.s32 s19, s9;
	[sflag:s13] =	ssyncset.done $0x0  }
.Ltmp1:
0x51: {  	s20 =	simm.s32 @!p0 $0x2;
	[sflag:s13] =	ssyncadd.s32 $0xFFFFD900;
	(pc) =	sbr.rel @p1 .LBB2_1-.Ltmp1, $4  }
0x52: {  	[hbm:s8], [sflag:s5] =	dma.local @!p0 [spmem:s14], $0x100  }
0x53: {  	_ =	swait.ge @!p0 [sflag:s20], $0x100  }
0x54: {  	[sflag:s20] =	ssyncset.done @!p0 $0x0  }
0x55: {  	[sflag:s20] =	ssyncadd.s32 @!p0 $0xFFFFFF00  }
0x56: {  	_ =	sfence.sel $0x180000  }
0x57: {  	[bflag:$0x0] =	sbarrier.arrive $0xFFFF  }
0x58: {  	_ =	strace $0x90000047  }
0x59: {  	s0 =	sadd.s32 @!p0 $0x100000, s0;
	[bflag:$0x2] =	sbarrier.arrive $0xFFFF  }
0x5a: {  	[sflag:s0] =	ssyncadd.tile.s32 @!p0 $0x1;
	_ =	shalt  }
.Lfunc_end2:
_tile_overlayer_lowered:
.L_overlay_start_2:
0x5b: {  	(tag) =	ssettag $0x2  }
0x5c: {  	s0 =	rddreg [dreg:$0x0];
	s2 =	stileid.u32  }
0x5d: {  	s1 =	rddreg [dreg:$0x1];
	p0 =	sne.s32 s2, $0x0  }
0x5e: {  	s3 =	rddreg [dreg:$0x2];
	[bflag:$0x3] =	sbarrier.arrive $0xFFFF;
	s2 =	simm.s32 @!p0 $0x1C02  }
0x5f: {  	[timem:s3], [sflag:s2] =	dma.local @!p0 [hbm:s0], s1  }
0x60: {  	s0 =	simm.s32 @!p0 $0x2  }
0x61: {  	_ =	swait.ge @!p0 [sflag:s0], s1  }
0x62: {  	s1 =	ssub.s32 @!p0 $0x0, s1;
	[sflag:s0] =	ssyncset.done @!p0 $0x0  }
0x63: {  	[sflag:s0] =	ssyncadd.s32 @!p0 s1  }
0x64: {  	[bflag:$0x3] =	sbarrier.arrive $0xFFFF  }
0x65: {  	_ =	shalt  }

// kernel: kernel.17.cloned.1.call-start
scs
__scs_entry_jumppad:
0x0: {  	(pc) =	sbr.rel $0x88, $3  }
0x1: {  	(tag) =	ssettag $0x0;
	lr =	simm.s32 $0x1  }
0x2: {  	[smem:$0x3F94] =	sst lr;
	_ =	strace $0xD0000000  }
0x3: {  	_ = 	snop  }
0x4: {  	_ = 	snop  }
0x5: {  	_ = 	snop  }
0x6: {  	_ = 	snop  }
0x7: {  	_ = 	snop  }
__scs_overlays_trampoline_lowered:
0x8: {  	[smem:$0x3FA3] =	sst s0  }
0x9: {  	[smem:$0x3FA4] =	sst s1  }
0xa: {  	[smem:$0x3FA5] =	sst s2  }
0xb: {  	[smem:$0x3FA6] =	sst s3  }
0xc: {  	[smem:$0x3FA7] =	sst s4  }
0xd: {  	[smem:$0x3FA8] =	sst s5  }
0xe: {  	[smem:$0x3FA9] =	sst s6  }
0xf: {  	[smem:$0x3FAA] =	sst s7  }
0x10: {  	[smem:$0x3FAB] =	sst s8  }
0x11: {  	[smem:$0x3FAC] =	sst s9;
	s0 =	simm.s32 @!p0 $0x0  }
0x12: {  	s1 =	sld [smem:$0x3F92];
	s0 =	simm.s32 @p0 $0x1  }
0x13: {  	[smem:$0x3FAD] =	sst s0;
	s0 =	simm.s32 @!p1 $0x0  }
0x14: {  	s2 =	sld [smem:$0x3F91];
	s0 =	simm.s32 @p1 $0x1  }
0x15: {  	[smem:$0x3FAE] =	sst s0;
	s0 =	simm.s32 @!p2 $0x0  }
0x16: {  	s3 =	sld [smem:$0x3FDB];
	s0 =	simm.s32 @p2 $0x1  }
0x17: {  	s4 =	simm.s32 $0x1BF5;
	[smem:$0x3FB0] =	sst s0  }
0x18: {  	s0 =	sld [smem:$0x3F93];
	_ =	swait.ge [sflag:s4], $0x0  }
0x19: {  	s7 =	sld [smem:$0x3F94]  }
0x1a: {  	s8 =	sadd.s32 $0xFFFFE003, lr  }
0x1b: {  	s9 =	sadd.s32 $0xFFFFFEF7, lr;
	s5 =	simm.s32 $0xFFFFFFFF;
	p2 =	slt.u32 s8, $0xFFFFF086  }
0x1c: {  	p1 =	slt.u32 s9, $0xF7A;
	s5 =	simm.s32 @!p2 $0x0  }
0x1d: {  	s5 =	simm.s32 @p1 $0x1;
	p0 =	seq.s32 s7, s2  }
0x1e: {  	s7 =	smul.u32 @!p0 $0xF7A, s2;
	p2 =	seq.s32 @!p0 s5, $0x0  }
0x1f: {  	s9 =	smul.u32 $0xF7A, s1;
	s8 =	simm.s32 @!p0 $0x1BF5;
	p2 =	por !p2, p0  }
0x20: {  	[sflag:s8] =	ssyncset.s32 @!p0 $0xFFFFF086;
	s6 =	sadd.s32 @!p0 s3, s7;
	s7 =	simm.s32 @!p0 $0x108  }
0x21: {  	s3 =	sadd.s32 s3, s9;
	s6 =	sadd.s32 @!p0 $0x88, s6;
	s7 =	simm.s32 @p2 $0x1082  }
0x22: {  	[simem:s7], [sflag:s8] =	dma.local @!p0 [hbm:s6], $0xF7A  }
0x23: {  	s9 =	sor.u32 $0xD0000000, s2;
	s6 =	simm.s32 $0x108;
	_ =	swait.ge @!p0 [sflag:s8], $0x0  }
0x24: {  	s3 =	sadd.s32 $0x88, s3;
	s6 =	simm.s32 @!p1 $0x1082;
	[sflag:s4] =	ssyncset.s32 $0xFFFFF086  }
0x25: {  	[simem:s6], [sflag:s4] =	dma.local [hbm:s3], $0xF7A  }
0x26: {  	[smem:$0x3F94] =	sst s1;
	(tag) =	ssettag s2;
	_ =	strace s9  }
0x27: {  	s1 =	sld [smem:$0x3FA4]  }
0x28: {  	s2 =	sld [smem:$0x3FA5]  }
0x29: {  	s4 =	sld [smem:$0x3FA7]  }
0x2a: {  	p0 =	seq.s32 s5, $0x0;
	s5 =	sld [smem:$0x3FA8]  }
0x2b: {  	s6 =	sld [smem:$0x3FA9]  }
0x2c: {  	s7 =	sld [smem:$0x3FAA]  }
0x2d: {  	s3 =	simm.s32 $0x108;
	s8 =	sld [smem:$0x3FAB]  }
0x2e: {  	s3 =	simm.s32 @!p0 $0x1082;
	s9 =	sld [smem:$0x3FAC]  }
0x2f: {  	lr =	sadd.s32 s0, s3;
	s0 =	sld [smem:$0x3FA3]  }
0x30: {  	s3 =	sld [smem:$0x3FA6]  }
0x31: {  	[smem:$0x3FAF] =	sst s10  }
0x32: {  	s10 =	sld [smem:$0x3FAD];
	_ =	sdelay $0x3  }
0x33: {  	p0 =	seq.s32 s10, $0x1;
	s10 =	sld [smem:$0x3FAF];
	_ =	sdelay $0x3  }
0x34: {  	[smem:$0x3FAF] =	sst s10  }
0x35: {  	s10 =	sld [smem:$0x3FAE];
	_ =	sdelay $0x3  }
0x36: {  	p1 =	seq.s32 s10, $0x1;
	s10 =	sld [smem:$0x3FAF];
	_ =	sdelay $0x3  }
0x37: {  	[smem:$0x3FAF] =	sst s10  }
0x38: {  	s10 =	sld [smem:$0x3FB0]  }
0x39: {  	_ = 	snop;
	(pc) =	sbr.ind lr, $3  }
0x3a: {  	_ = 	snop  }
0x3b: {  	_ = 	snop  }
0x3c: {  	p2 =	seq.s32 s10, $0x1;
	s10 =	sld [smem:$0x3FAF]  }
0x3d: {  	_ =	shalt  }
0x3e: {  	_ =	shalt  }
0x3f: {  	_ =	shalt  }
0x40: {  	_ =	shalt  }
0x41: {  	_ =	shalt  }
0x42: {  	_ =	shalt  }
0x43: {  	_ =	shalt  }
0x44: {  	_ =	shalt  }
0x45: {  	_ =	shalt  }
0x46: {  	_ =	shalt  }
0x47: {  	_ =	shalt  }
0x48: {  	_ =	shalt  }
0x49: {  	_ =	shalt  }
0x4a: {  	_ =	shalt  }
0x4b: {  	_ =	shalt  }
0x4c: {  	_ =	shalt  }
0x4d: {  	_ =	shalt  }
0x4e: {  	_ =	shalt  }
0x4f: {  	_ =	shalt  }
0x50: {  	_ =	shalt  }
0x51: {  	_ =	shalt  }
0x52: {  	_ =	shalt  }
0x53: {  	_ =	shalt  }
0x54: {  	_ =	shalt  }
0x55: {  	_ =	shalt  }
0x56: {  	_ =	shalt  }
0x57: {  	_ =	shalt  }
0x58: {  	_ =	shalt  }
0x59: {  	_ =	shalt  }
0x5a: {  	_ =	shalt  }
0x5b: {  	_ =	shalt  }
0x5c: {  	_ =	shalt  }
0x5d: {  	_ =	shalt  }
0x5e: {  	_ =	shalt  }
0x5f: {  	_ =	shalt  }
0x60: {  	_ =	shalt  }
0x61: {  	_ =	shalt  }
0x62: {  	_ =	shalt  }
0x63: {  	_ =	shalt  }
0x64: {  	_ =	shalt  }
0x65: {  	_ =	shalt  }
0x66: {  	_ =	shalt  }
0x67: {  	_ =	shalt  }
0x68: {  	_ =	shalt  }
0x69: {  	_ =	shalt  }
0x6a: {  	_ =	shalt  }
0x6b: {  	_ =	shalt  }
0x6c: {  	_ =	shalt  }
0x6d: {  	_ =	shalt  }
0x6e: {  	_ =	shalt  }
0x6f: {  	_ =	shalt  }
0x70: {  	_ =	shalt  }
0x71: {  	_ =	shalt  }
0x72: {  	_ =	shalt  }
0x73: {  	_ =	shalt  }
0x74: {  	_ =	shalt  }
0x75: {  	_ =	shalt  }
0x76: {  	_ =	shalt  }
0x77: {  	_ =	shalt  }
0x78: {  	_ =	shalt  }
0x79: {  	_ =	shalt  }
0x7a: {  	_ =	shalt  }
0x7b: {  	_ =	shalt  }
0x7c: {  	_ =	shalt  }
0x7d: {  	_ =	shalt  }
0x7e: {  	_ =	shalt  }
0x7f: {  	_ =	shalt  }
0x80: {  	_ =	shalt  }
0x81: {  	_ =	shalt  }
0x82: {  	_ =	shalt  }
0x83: {  	_ =	shalt  }
0x84: {  	_ =	shalt  }
0x85: {  	_ =	shalt  }
0x86: {  	_ =	shalt  }
0x87: {  	_ =	shalt  }
.Lfunc_end0:
.L_simem_size_0:
called_computation.1_lowered:
.L_overlay_start_0:
0x88: {  	s2 =	sld [smem:$0x3FD9]  }
0x89: {  	s3 =	sld [smem:$0x3FFE];
	_ =	sdelay $0x1  }
0x8a: {  	s1 =	srdreg.scid  }
0x8b: {  	s0 =	sand.u32 $0x1, s1  }
0x8c: {  	s16 =	sshll.u32 s0, $0xA;
	s2 =	sadd.s32 s3, s2  }
0x8d: {  	s2 =	sadd.s32 s2, s16  }
0x8e: {  	[smem:$0x3FBB] =	sst s2  }
0x8f: {  	_ = 	snop  }
0x90: {  	(tm) =	ssettm $0x1  }
0x91: {  	s17 =	sld [smem:$0x3FFB];
	_ =	sdelay $0x3  }
0x92: {  	_ =	strace s17  }
0x93: {  	s2 =	sld [smem:$0x3FFC];
	_ =	sdelay $0x3  }
0x94: {  	_ =	strace s2  }
0x95: {  	s2 =	sld [smem:$0x3FFD];
	_ =	sdelay $0x3  }
0x96: {  	_ =	strace s2  }
0x97: {  	_ =	strace $0x8FFFFFFF  }
0x98: {  	s18 =	sld [smem:$0x3FDB];
	_ =	sdelay $0x1  }
0x99: {  	s19 =	simm.s32 $_scs_section_size  }
0x9a: {  	s4 =	simm.s32 $_size__tile_overlayer_lowered;
	s5 =	simm.s32 $_tile_overlayer_lowered  }
0x9b: {  	s22 =	simm.s32 $0x1BFF;
	s21 =	sshll.u32 s5, $0x1;
	s2 =	sadd.s32 s19, s18  }
0x9c: {  	s6 =	simm.s32 $0x0;
	s20 =	sshll.u32 s4, $0x1;
	s4 =	sadd.s32 s21, s2  }
0x9d: {  	[timem:s6], [sflag:s22] =	dma.local [hbm:s4], s20  }
0x9e: {  	_ =	swait.ge [sflag:s22], s20  }
0x9f: {  	s3 =	ssub.s32 $0x0, s20;
	[sflag:s22] =	ssyncset.done $0x0  }
0xa0: {  	[sflag:s22] =	ssyncadd.s32 s3;
	_ =	sdelay $0x1  }
0xa1: {  	s23 =	simm.s32 $0x1B8B  }
0xa2: {  	_ =	swait.ge [sflag:s23], $0x1  }
0xa3: {  	[sflag:s23] =	ssyncset.done $0x0  }
0xa4: {  	s25 =	simm.s32 $0x1B8E;
	s24 =	sld [smem:$0x3FFE];
	[sflag:s23] =	ssyncadd.s32 $0xFFFFFFFF  }
0xa5: {  	s26 =	simm.s32 $execute0_lowered;
	[smem:$0x3FD2] =	sst s25  }
0xa6: {  	s4 =	sshll.u32 s26, $0x1;
	_ =	strace $0x80000049;
	[dreg:$0x1] =	wrdreg $0xFFFFFFFF  }
0xa7: {  	s28 =	simm.s32 $_size_execute0_lowered;
	s2 =	sadd.s32 s2, s4;
	[dreg:$0x0] =	wrdreg $0x0  }
0xa8: {  	s4 =	sshll.u32 s28, $0x1;
	[dreg:$0x2] =	wrdreg s2  }
0xa9: {  	[dreg:$0x3] =	wrdreg s4  }
0xaa: {  	[dreg:$0x4] =	wrdreg $0xC0  }
0xab: {  	_ =	task [dreg:s6], $0x5FFFF  }
0xac: {  	[dreg:$0x1] =	wrdreg $0xFFFFFFFF  }
0xad: {  	[dreg:$0x0] =	wrdreg $0x60  }
0xae: {  	[dreg:$0x2] =	wrdreg s24  }
0xaf: {  	[dreg:$0x3] =	wrdreg $0x29000  }
0xb0: {  	[dreg:$0x4] =	wrdreg $0x9  }
0xb1: {  	_ =	task.clear_ibuf [dreg:s6], $0x5FFFF;
	_ =	strace $0x90000049  }
0xb2: {  	s29 =	simm.s32 $0x9;
	_ =	strace $0x8000004B  }
0xb3: {  	_ =	swait.ge [sflag:s29], $0x1  }
0xb4: {  	[sflag:s29] =	ssyncadd.s32 $0xFFFFFFFF  }
0xb5: {  	_ =	strace $0x9000004B  }
0xb6: {  	_ =	sfence  }
0xb7: {  	s30 =	sld [smem:$0x0];
	_ =	sdelay $0x2  }
0xb8: {  	s31 =	sshll.u32 s1, $0xD;
	s1 =	sshrl.u32 s1, $0x2  }
0xb9: {  	s3 =	sand.u32 $0x4000, s31;
	s1 =	sadd.s32 s1, s30  }
0xba: {  	s0 =	sor.u32 s3, s0;
	s1 =	sshll.u32 s1, $0x11  }
0xbb: {  	s0 =	sor.u32 s1, s0  }
0xbc: {  	s0 =	sadd.s32 $0x8F2B, s0  }
0xbd: {  	[sflag:s0] =	ssyncadd.remote.s32 $0x1  }
0xbe: {  	_ =	sfence.sel $0xFFFF  }
0xbf: {  	[dreg:$0x0] =	wrdreg $0xFFFFFFFF;
	(pc) =	sbr.abs _section_cstart, $3  }
0xc0: {  	[dreg:$0x1] =	wrdreg $0xFFFFFFFF  }
0xc1: {  	_ =	task.clear_ibuf [dreg:s6], $0x2FFFF;
	_ =	strace $0x9FFFFFFF  }
0xc2: {  	(tm) =	ssettm $0x7FFFFFFF  }
0xc3: {  	_ =	shalt  }
tec
execute0_lowered:
.L_overlay_start_1:
0x0: {  	(tag) =	ssettag $0x1  }
0x1: {  	s0 =	srdreg.scid  }
0x2: {  	s12 =	stileid.u32;
	s6 =	rddreg [dreg:$0x0]  }
0x3: {  	s1 =	rddreg [dreg:$0x1];
	s3 =	smul.u32 $0x4E20, s12  }
0x4: {  	s2 =	simm.s32 $0x0;
	s18 =	simm.s32 $0x1;
	s26 =	smul.u32 $0x9C4, s12  }
0x5: {  	s4 =	sand.u32 $0x1, s0;
	s0 =	rddreg [dreg:$0x2];
	s7 =	smul.u32 $0x2700, s12  }
0x6: {  	s19 =	simm.s32 $0x0;
	[smem:$0x7FF] =	sst s2;
	s8 =	smul.u32 $0x4E000, s12  }
0x7: {  	s13 =	sadd.s32 $0x95600, s6;
	s31 =	sshll.u32 s12, $0x6;
	s5 =	smul.u32 $0x4E200, s4  }
0x8: {  	s17 =	sadd.s32 $0x138000, s1;
	p0 =	sne.s32 s12, $0x0;
	s30 =	smul.u32 $0x138800, s4  }
0x9: {  	_ =	strace $0x8000004A;
	s28 =	ssub.s32 $0x2, s4;
	s16 =	smul.u32 $0x27100, s4  }
0xa: {  	s10 =	sadd.s32 s26, s6;
	s9 =	sadd.s32 s7, s6;
	s14 =	sshrl.u32 s28, $0x1  }
0xb: {  	s29 =	sshrl.u32 s8, $0x2;
	s3 =	sadd.s32 s3, s5;
	s14 =	ssub.s32 s28, s14  }
0xc: {  	s15 =	sadd.s32 s29, s1;
	s4 =	sadd.s32 $0x20200, s9;
	s5 =	sor.u32 $0x1C02, s31  }
0xd: {  	s8 =	sshrl.u32 s30, $0x3;
	s7 =	sadd.s32 s7, s16;
	s10 =	sadd.s32 $0x2A00, s10  }
0xe: {  	s16 =	simm.s32 $0x50;
	s3 =	sshrl.u32 s3, $0x3;
	s8 =	sadd.s32 s13, s8  }
0xf: {  	s7 =	sadd.s32 s13, s7;
	s9 =	smax.u32 s14, $0x1;
	s12 =	sshrl.u32 s15, $0x3  }
0x10: {  	s13 =	simm.s32 $0x2;
	s14 =	sshrl.u32 @!p0 s17, $0x3;
	s15 =	simm.s32 $0x80  }
0x11: {  	s17 =	simm.s32 $0x100;
	s11 =	sadd.s32 s3, s6;
	s3 =	sadd.s32 $0x47400, s6  }
0x12: {  	s6 =	sadd.s32 $0x47200, s6;
	s8 =	sadd.s32 $0x27000, s8;
	s11 =	sadd.s32 $0xC800, s11  }
.LBB2_1:
0x13: {  	[spmem:s12], [sflag:s5] =	dma.local [hbm:s4], $0x2700  }
0x14: {  	_ =	swait.ge [sflag:s13], $0x2700  }
0x15: {  	[sflag:s13] =	ssyncset.done $0x0  }
0x16: {  	s20 =	simm.s32 @!p0 $0x2;
	[sflag:s13] =	ssyncadd.s32 $0xFFFFD900  }
0x17: {  	[spmem:s14], [sflag:s5] =	dma.local @!p0 [hbm:s6], $0x100  }
0x18: {  	_ =	swait.ge @!p0 [sflag:s20], $0x100  }
0x19: {  	[sflag:s20] =	ssyncset.done @!p0 $0x0  }
0x1a: {  	[sflag:s20] =	ssyncadd.s32 @!p0 $0xFFFFFF00  }
0x1b: {  	s30 =	sadd.s32 $0x0, s11;
	[bflag:$0x0] =	sbarrier.arrive $0xFFFF  }
0x1c: {  	[tilespmem:s2], [sflag:$0x2] =	stream.linear.gather [hbm4b:s30+s2], $0x50, $0x38;
	[tilespmem:$0x16180] =	vst v63  }
0x1d: {  	_ =	swait.ge [sflag:s13], $0x50  }
0x1e: {  	[sflag:s13] =	ssyncset.done $0x0  }
0x1f: {  	s31 =	sadd.s32 $0x0, s10;
	[sflag:s13] =	ssyncadd.s32 $0xFFFFFFB0  }
0x20: {  	[tilespmem:s15], [sflag:$0x2] =	stream.linear.gather [hbm4b:s31+s2], $0x50, $0x38;
	[tilespmem:$0x16180] =	vst v63  }
0x21: {  	_ =	swait.ge [sflag:s13], $0x50  }
0x22: {  	[sflag:s13] =	ssyncset.done $0x0  }
0x23: {  	[sflag:s13] =	ssyncadd.s32 $0xFFFFFFB0  }
0x24: {  	[tilespmem:s17], [sflag:$0x1] =	stream.indirect.gather [hbm4b:s3+s16], $0x80, s2, s16, $0xb8;
	[tilespmem:$0x16180] =	vst v63  }
0x25: {  	_ =	swait.ge [sflag:s18], $0x2800  }
0x26: {  	[sflag:s18] =	ssyncset.done $0x0  }
0x27: {  	[sflag:s18] =	ssyncadd.s32 $0xFFFFD800  }
0x28: {  	[spmem:s1] =	stream.indirect.scatter.add.f32 [tilespmem:s17], [sflag:$0x2], $0x80, s15, s16, $0xb8;
	[tilespmem:$0x16180] =	vst v63  }
0x29: {  	_ =	swait.ge [sflag:s13], $0x2800  }
0x2a: {  	s21 =	simm.s32 $0x14;
	s20 =	simm.s32 $0xA;
	[sflag:s13] =	ssyncset.done $0x0  }
.LBB2_2:
0x2b: {  	s22 =	sadd.s32 s20, s11  }
0x2c: {  	[sflag:s13] =	ssyncadd.s32 $0xFFFFD800;
	s23 =	smov.u32 s21;
	s24 =	sadd.s32 $0xA, s21  }
0x2d: {  	[tilespmem:s2], [sflag:$0x2] =	stream.linear.gather [hbm4b:s22+s2], $0x50, $0x38;
	[tilespmem:$0x16180] =	vst v63  }
0x2e: {  	p1 =	sne.s32 s21, $0x9BA;
	_ =	swait.ge [sflag:s13], $0x50  }
0x2f: {  	[sflag:s13] =	ssyncset.done $0x0  }
0x30: {  	s21 =	sadd.s32 s20, s10;
	s20 =	smov.u32 s23;
	[sflag:s13] =	ssyncadd.s32 $0xFFFFFFB0  }
0x31: {  	[tilespmem:s15], [sflag:$0x2] =	stream.linear.gather [hbm4b:s21+s2], $0x50, $0x38;
	[tilespmem:$0x16180] =	vst v63  }
0x32: {  	_ =	swait.ge [sflag:s13], $0x50  }
0x33: {  	[sflag:s13] =	ssyncset.done $0x0  }
0x34: {  	[sflag:s13] =	ssyncadd.s32 $0xFFFFFFB0  }
0x35: {  	[tilespmem:s17], [sflag:$0x1] =	stream.indirect.gather [hbm4b:s3+s16], $0x80, s2, s16, $0xb8;
	[tilespmem:$0x16180] =	vst v63  }
0x36: {  	_ =	swait.ge [sflag:s18], $0x2800  }
.Ltmp0:
0x37: {  	[sflag:s18] =	ssyncset.done $0x0;
	(pc) =	sbr.rel @p1 .LBB2_2-.Ltmp0, $4  }
0x38: {  	[sflag:s18] =	ssyncadd.s32 $0xFFFFD800  }
0x39: {  	[spmem:s1] =	stream.indirect.scatter.add.f32 [tilespmem:s17], [sflag:$0x2], $0x80, s15, s16, $0xb8;
	[tilespmem:$0x16180] =	vst v63  }
0x3a: {  	_ =	swait.ge [sflag:s13], $0x2800  }
0x3b: {  	s21 =	smov.u32 s24;
	[sflag:s13] =	ssyncset.done $0x0  }
0x3c: {  	s21 =	sadd.s32 s20, s11;
	[sflag:s13] =	ssyncadd.s32 $0xFFFFD800  }
0x3d: {  	[tilespmem:s2], [sflag:$0x2] =	stream.linear.gather [hbm4b:s21+s2], $0x50, $0x38;
	[tilespmem:$0x16180] =	vst v63  }
0x3e: {  	_ =	swait.ge [sflag:s13], $0x50  }
0x3f: {  	[sflag:s13] =	ssyncset.done $0x0  }
0x40: {  	s31 =	sadd.s32 s20, s10;
	[sflag:s13] =	ssyncadd.s32 $0xFFFFFFB0  }
0x41: {  	[tilespmem:s15], [sflag:$0x2] =	stream.linear.gather [hbm4b:s31+s2], $0x50, $0x38;
	[tilespmem:$0x16180] =	vst v63  }
0x42: {  	_ =	swait.ge [sflag:s13], $0x50  }
0x43: {  	[sflag:s13] =	ssyncset.done $0x0  }
0x44: {  	[sflag:s13] =	ssyncadd.s32 $0xFFFFFFB0  }
0x45: {  	[tilespmem:s17], [sflag:$0x1] =	stream.indirect.gather [hbm4b:s3+s16], $0x80, s2, s16, $0xb8;
	[tilespmem:$0x16180] =	vst v63  }
0x46: {  	_ =	swait.ge [sflag:s18], $0x2800  }
0x47: {  	[sflag:s18] =	ssyncset.done $0x0  }
0x48: {  	[sflag:s18] =	ssyncadd.s32 $0xFFFFD800  }
0x49: {  	[spmem:s1] =	stream.indirect.scatter.add.f32 [tilespmem:s17], [sflag:$0x2], $0x80, s15, s16, $0xb8;
	[tilespmem:$0x16180] =	vst v63  }
0x4a: {  	_ =	swait.ge [sflag:s13], $0x2800  }
0x4b: {  	[sflag:s13] =	ssyncset.done $0x0  }
0x4c: {  	[sflag:s13] =	ssyncadd.s32 $0xFFFFD800  }
0x4d: {  	[bflag:$0x0] =	sbarrier.arrive $0xFFFF  }
0x4e: {  	[hbm:s7], [sflag:s5] =	dma.local [spmem:s12], $0x2700  }
0x4f: {  	s19 =	sadd.s32 $0x1, s19;
	_ =	swait.ge [sflag:s13], $0x2700  }
0x50: {  	p1 =	sne.s32 s19, s9;
	[sflag:s13] =	ssyncset.done $0x0  }
.Ltmp1:
0x51: {  	s20 =	simm.s32 @!p0 $0x2;
	[sflag:s13] =	ssyncadd.s32 $0xFFFFD900;
	(pc) =	sbr.rel @p1 .LBB2_1-.Ltmp1, $4  }
0x52: {  	[hbm:s8], [sflag:s5] =	dma.local @!p0 [spmem:s14], $0x100  }
0x53: {  	_ =	swait.ge @!p0 [sflag:s20], $0x100  }
0x54: {  	[sflag:s20] =	ssyncset.done @!p0 $0x0  }
0x55: {  	[sflag:s20] =	ssyncadd.s32 @!p0 $0xFFFFFF00  }
0x56: {  	_ =	sfence.sel $0x180000  }
0x57: {  	[bflag:$0x0] =	sbarrier.arrive $0xFFFF  }
0x58: {  	_ =	strace $0x9000004A  }
0x59: {  	s0 =	sadd.s32 @!p0 $0x100000, s0;
	[bflag:$0x2] =	sbarrier.arrive $0xFFFF  }
0x5a: {  	[sflag:s0] =	ssyncadd.tile.s32 @!p0 $0x1;
	_ =	shalt  }
.Lfunc_end2:
_tile_overlayer_lowered:
.L_overlay_start_2:
0x5b: {  	(tag) =	ssettag $0x2  }
0x5c: {  	s0 =	rddreg [dreg:$0x0];
	s2 =	stileid.u32  }
0x5d: {  	s1 =	rddreg [dreg:$0x1];
	p0 =	sne.s32 s2, $0x0  }
0x5e: {  	s3 =	rddreg [dreg:$0x2];
	[bflag:$0x3] =	sbarrier.arrive $0xFFFF;
	s2 =	simm.s32 @!p0 $0x1C02  }
0x5f: {  	[timem:s3], [sflag:s2] =	dma.local @!p0 [hbm:s0], s1  }
0x60: {  	s0 =	simm.s32 @!p0 $0x2  }
0x61: {  	_ =	swait.ge @!p0 [sflag:s0], s1  }
0x62: {  	s1 =	ssub.s32 @!p0 $0x0, s1;
	[sflag:s0] =	ssyncset.done @!p0 $0x0  }
0x63: {  	[sflag:s0] =	ssyncadd.s32 @!p0 s1  }
0x64: {  	[bflag:$0x3] =	sbarrier.arrive $0xFFFF  }
0x65: {  	_ =	shalt  }

// kernel: kernel.20.cloned.1.call-start
scs
__scs_entry_jumppad:
0x0: {  	(pc) =	sbr.rel $0x88, $3  }
0x1: {  	(tag) =	ssettag $0x0;
	lr =	simm.s32 $0x1  }
0x2: {  	[smem:$0x3F94] =	sst lr;
	_ =	strace $0xD0000000  }
0x3: {  	_ = 	snop  }
0x4: {  	_ = 	snop  }
0x5: {  	_ = 	snop  }
0x6: {  	_ = 	snop  }
0x7: {  	_ = 	snop  }
__scs_overlays_trampoline_lowered:
0x8: {  	[smem:$0x3FA3] =	sst s0  }
0x9: {  	[smem:$0x3FA4] =	sst s1  }
0xa: {  	[smem:$0x3FA5] =	sst s2  }
0xb: {  	[smem:$0x3FA6] =	sst s3  }
0xc: {  	[smem:$0x3FA7] =	sst s4  }
0xd: {  	[smem:$0x3FA8] =	sst s5  }
0xe: {  	[smem:$0x3FA9] =	sst s6  }
0xf: {  	[smem:$0x3FAA] =	sst s7  }
0x10: {  	[smem:$0x3FAB] =	sst s8  }
0x11: {  	[smem:$0x3FAC] =	sst s9;
	s0 =	simm.s32 @!p0 $0x0  }
0x12: {  	s1 =	sld [smem:$0x3F92];
	s0 =	simm.s32 @p0 $0x1  }
0x13: {  	[smem:$0x3FAD] =	sst s0;
	s0 =	simm.s32 @!p1 $0x0  }
0x14: {  	s2 =	sld [smem:$0x3F91];
	s0 =	simm.s32 @p1 $0x1  }
0x15: {  	[smem:$0x3FAE] =	sst s0;
	s0 =	simm.s32 @!p2 $0x0  }
0x16: {  	s3 =	sld [smem:$0x3FDB];
	s0 =	simm.s32 @p2 $0x1  }
0x17: {  	s4 =	simm.s32 $0x1BF5;
	[smem:$0x3FB0] =	sst s0  }
0x18: {  	s0 =	sld [smem:$0x3F93];
	_ =	swait.ge [sflag:s4], $0x0  }
0x19: {  	s7 =	sld [smem:$0x3F94]  }
0x1a: {  	s8 =	sadd.s32 $0xFFFFE003, lr  }
0x1b: {  	s9 =	sadd.s32 $0xFFFFFEF7, lr;
	s5 =	simm.s32 $0xFFFFFFFF;
	p2 =	slt.u32 s8, $0xFFFFF086  }
0x1c: {  	p1 =	slt.u32 s9, $0xF7A;
	s5 =	simm.s32 @!p2 $0x0  }
0x1d: {  	s5 =	simm.s32 @p1 $0x1;
	p0 =	seq.s32 s7, s2  }
0x1e: {  	s7 =	smul.u32 @!p0 $0xF7A, s2;
	p2 =	seq.s32 @!p0 s5, $0x0  }
0x1f: {  	s9 =	smul.u32 $0xF7A, s1;
	s8 =	simm.s32 @!p0 $0x1BF5;
	p2 =	por !p2, p0  }
0x20: {  	[sflag:s8] =	ssyncset.s32 @!p0 $0xFFFFF086;
	s6 =	sadd.s32 @!p0 s3, s7;
	s7 =	simm.s32 @!p0 $0x108  }
0x21: {  	s3 =	sadd.s32 s3, s9;
	s6 =	sadd.s32 @!p0 $0x88, s6;
	s7 =	simm.s32 @p2 $0x1082  }
0x22: {  	[simem:s7], [sflag:s8] =	dma.local @!p0 [hbm:s6], $0xF7A  }
0x23: {  	s9 =	sor.u32 $0xD0000000, s2;
	s6 =	simm.s32 $0x108;
	_ =	swait.ge @!p0 [sflag:s8], $0x0  }
0x24: {  	s3 =	sadd.s32 $0x88, s3;
	s6 =	simm.s32 @!p1 $0x1082;
	[sflag:s4] =	ssyncset.s32 $0xFFFFF086  }
0x25: {  	[simem:s6], [sflag:s4] =	dma.local [hbm:s3], $0xF7A  }
0x26: {  	[smem:$0x3F94] =	sst s1;
	(tag) =	ssettag s2;
	_ =	strace s9  }
0x27: {  	s1 =	sld [smem:$0x3FA4]  }
0x28: {  	s2 =	sld [smem:$0x3FA5]  }
0x29: {  	s4 =	sld [smem:$0x3FA7]  }
0x2a: {  	p0 =	seq.s32 s5, $0x0;
	s5 =	sld [smem:$0x3FA8]  }
0x2b: {  	s6 =	sld [smem:$0x3FA9]  }
0x2c: {  	s7 =	sld [smem:$0x3FAA]  }
0x2d: {  	s3 =	simm.s32 $0x108;
	s8 =	sld [smem:$0x3FAB]  }
0x2e: {  	s3 =	simm.s32 @!p0 $0x1082;
	s9 =	sld [smem:$0x3FAC]  }
0x2f: {  	lr =	sadd.s32 s0, s3;
	s0 =	sld [smem:$0x3FA3]  }
0x30: {  	s3 =	sld [smem:$0x3FA6]  }
0x31: {  	[smem:$0x3FAF] =	sst s10  }
0x32: {  	s10 =	sld [smem:$0x3FAD];
	_ =	sdelay $0x3  }
0x33: {  	p0 =	seq.s32 s10, $0x1;
	s10 =	sld [smem:$0x3FAF];
	_ =	sdelay $0x3  }
0x34: {  	[smem:$0x3FAF] =	sst s10  }
0x35: {  	s10 =	sld [smem:$0x3FAE];
	_ =	sdelay $0x3  }
0x36: {  	p1 =	seq.s32 s10, $0x1;
	s10 =	sld [smem:$0x3FAF];
	_ =	sdelay $0x3  }
0x37: {  	[smem:$0x3FAF] =	sst s10  }
0x38: {  	s10 =	sld [smem:$0x3FB0]  }
0x39: {  	_ = 	snop;
	(pc) =	sbr.ind lr, $3  }
0x3a: {  	_ = 	snop  }
0x3b: {  	_ = 	snop  }
0x3c: {  	p2 =	seq.s32 s10, $0x1;
	s10 =	sld [smem:$0x3FAF]  }
0x3d: {  	_ =	shalt  }
0x3e: {  	_ =	shalt  }
0x3f: {  	_ =	shalt  }
0x40: {  	_ =	shalt  }
0x41: {  	_ =	shalt  }
0x42: {  	_ =	shalt  }
0x43: {  	_ =	shalt  }
0x44: {  	_ =	shalt  }
0x45: {  	_ =	shalt  }
0x46: {  	_ =	shalt  }
0x47: {  	_ =	shalt  }
0x48: {  	_ =	shalt  }
0x49: {  	_ =	shalt  }
0x4a: {  	_ =	shalt  }
0x4b: {  	_ =	shalt  }
0x4c: {  	_ =	shalt  }
0x4d: {  	_ =	shalt  }
0x4e: {  	_ =	shalt  }
0x4f: {  	_ =	shalt  }
0x50: {  	_ =	shalt  }
0x51: {  	_ =	shalt  }
0x52: {  	_ =	shalt  }
0x53: {  	_ =	shalt  }
0x54: {  	_ =	shalt  }
0x55: {  	_ =	shalt  }
0x56: {  	_ =	shalt  }
0x57: {  	_ =	shalt  }
0x58: {  	_ =	shalt  }
0x59: {  	_ =	shalt  }
0x5a: {  	_ =	shalt  }
0x5b: {  	_ =	shalt  }
0x5c: {  	_ =	shalt  }
0x5d: {  	_ =	shalt  }
0x5e: {  	_ =	shalt  }
0x5f: {  	_ =	shalt  }
0x60: {  	_ =	shalt  }
0x61: {  	_ =	shalt  }
0x62: {  	_ =	shalt  }
0x63: {  	_ =	shalt  }
0x64: {  	_ =	shalt  }
0x65: {  	_ =	shalt  }
0x66: {  	_ =	shalt  }
0x67: {  	_ =	shalt  }
0x68: {  	_ =	shalt  }
0x69: {  	_ =	shalt  }
0x6a: {  	_ =	shalt  }
0x6b: {  	_ =	shalt  }
0x6c: {  	_ =	shalt  }
0x6d: {  	_ =	shalt  }
0x6e: {  	_ =	shalt  }
0x6f: {  	_ =	shalt  }
0x70: {  	_ =	shalt  }
0x71: {  	_ =	shalt  }
0x72: {  	_ =	shalt  }
0x73: {  	_ =	shalt  }
0x74: {  	_ =	shalt  }
0x75: {  	_ =	shalt  }
0x76: {  	_ =	shalt  }
0x77: {  	_ =	shalt  }
0x78: {  	_ =	shalt  }
0x79: {  	_ =	shalt  }
0x7a: {  	_ =	shalt  }
0x7b: {  	_ =	shalt  }
0x7c: {  	_ =	shalt  }
0x7d: {  	_ =	shalt  }
0x7e: {  	_ =	shalt  }
0x7f: {  	_ =	shalt  }
0x80: {  	_ =	shalt  }
0x81: {  	_ =	shalt  }
0x82: {  	_ =	shalt  }
0x83: {  	_ =	shalt  }
0x84: {  	_ =	shalt  }
0x85: {  	_ =	shalt  }
0x86: {  	_ =	shalt  }
0x87: {  	_ =	shalt  }
.Lfunc_end0:
.L_simem_size_0:
called_computation.2_lowered:
.L_overlay_start_0:
0x88: {  	s2 =	sld [smem:$0x3FD9]  }
0x89: {  	s3 =	sld [smem:$0x3FFE];
	_ =	sdelay $0x1  }
0x8a: {  	s1 =	srdreg.scid  }
0x8b: {  	s0 =	sand.u32 $0x1, s1  }
0x8c: {  	s16 =	sshll.u32 s0, $0xA;
	s2 =	sadd.s32 s3, s2  }
0x8d: {  	s2 =	sadd.s32 s2, s16  }
0x8e: {  	[smem:$0x3FBB] =	sst s2  }
0x8f: {  	_ = 	snop  }
0x90: {  	(tm) =	ssettm $0x1  }
0x91: {  	s17 =	sld [smem:$0x3FFB];
	_ =	sdelay $0x3  }
0x92: {  	_ =	strace s17  }
0x93: {  	s2 =	sld [smem:$0x3FFC];
	_ =	sdelay $0x3  }
0x94: {  	_ =	strace s2  }
0x95: {  	s2 =	sld [smem:$0x3FFD];
	_ =	sdelay $0x3  }
0x96: {  	_ =	strace s2  }
0x97: {  	_ =	strace $0x8FFFFFFF  }
0x98: {  	s18 =	sld [smem:$0x3FDB];
	_ =	sdelay $0x1  }
0x99: {  	s19 =	simm.s32 $_scs_section_size  }
0x9a: {  	s4 =	simm.s32 $_size__tile_overlayer_lowered;
	s5 =	simm.s32 $_tile_overlayer_lowered  }
0x9b: {  	s22 =	simm.s32 $0x1BFF;
	s21 =	sshll.u32 s5, $0x1;
	s2 =	sadd.s32 s19, s18  }
0x9c: {  	s6 =	simm.s32 $0x0;
	s20 =	sshll.u32 s4, $0x1;
	s4 =	sadd.s32 s21, s2  }
0x9d: {  	[timem:s6], [sflag:s22] =	dma.local [hbm:s4], s20  }
0x9e: {  	_ =	swait.ge [sflag:s22], s20  }
0x9f: {  	s3 =	ssub.s32 $0x0, s20;
	[sflag:s22] =	ssyncset.done $0x0  }
0xa0: {  	[sflag:s22] =	ssyncadd.s32 s3;
	_ =	sdelay $0x1  }
0xa1: {  	s23 =	simm.s32 $0x1B8B  }
0xa2: {  	_ =	swait.ge [sflag:s23], $0x1  }
0xa3: {  	[sflag:s23] =	ssyncset.done $0x0  }
0xa4: {  	s25 =	simm.s32 $0x1B8E;
	s24 =	sld [smem:$0x3FFE];
	[sflag:s23] =	ssyncadd.s32 $0xFFFFFFFF  }
0xa5: {  	s26 =	simm.s32 $execute0_lowered;
	[smem:$0x3FD2] =	sst s25  }
0xa6: {  	s4 =	sshll.u32 s26, $0x1;
	_ =	strace $0x8000004C;
	[dreg:$0x1] =	wrdreg $0xFFFFFFFF  }
0xa7: {  	s28 =	simm.s32 $_size_execute0_lowered;
	s2 =	sadd.s32 s2, s4;
	[dreg:$0x0] =	wrdreg $0x0  }
0xa8: {  	s4 =	sshll.u32 s28, $0x1;
	[dreg:$0x2] =	wrdreg s2  }
0xa9: {  	[dreg:$0x3] =	wrdreg s4  }
0xaa: {  	[dreg:$0x4] =	wrdreg $0xC0  }
0xab: {  	_ =	task [dreg:s6], $0x5FFFF  }
0xac: {  	[dreg:$0x1] =	wrdreg $0xFFFFFFFF  }
0xad: {  	[dreg:$0x0] =	wrdreg $0x60  }
0xae: {  	[dreg:$0x2] =	wrdreg s24  }
0xaf: {  	[dreg:$0x3] =	wrdreg $0x29000  }
0xb0: {  	[dreg:$0x4] =	wrdreg $0x9  }
0xb1: {  	_ =	task.clear_ibuf [dreg:s6], $0x5FFFF;
	_ =	strace $0x9000004C  }
0xb2: {  	s29 =	simm.s32 $0x9;
	_ =	strace $0x8000004E  }
0xb3: {  	_ =	swait.ge [sflag:s29], $0x1  }
0xb4: {  	[sflag:s29] =	ssyncadd.s32 $0xFFFFFFFF  }
0xb5: {  	_ =	strace $0x9000004E  }
0xb6: {  	_ =	sfence  }
0xb7: {  	s30 =	sld [smem:$0x0];
	_ =	sdelay $0x2  }
0xb8: {  	s31 =	sshll.u32 s1, $0xD;
	s1 =	sshrl.u32 s1, $0x2  }
0xb9: {  	s3 =	sand.u32 $0x4000, s31;
	s1 =	sadd.s32 s1, s30  }
0xba: {  	s0 =	sor.u32 s3, s0;
	s1 =	sshll.u32 s1, $0x11  }
0xbb: {  	s0 =	sor.u32 s1, s0  }
0xbc: {  	s0 =	sadd.s32 $0x8F2B, s0  }
0xbd: {  	[sflag:s0] =	ssyncadd.remote.s32 $0x1  }
0xbe: {  	_ =	sfence.sel $0xFFFF  }
0xbf: {  	[dreg:$0x0] =	wrdreg $0xFFFFFFFF;
	(pc) =	sbr.abs _section_cstart, $3  }
0xc0: {  	[dreg:$0x1] =	wrdreg $0xFFFFFFFF  }
0xc1: {  	_ =	task.clear_ibuf [dreg:s6], $0x2FFFF;
	_ =	strace $0x9FFFFFFF  }
0xc2: {  	(tm) =	ssettm $0x7FFFFFFF  }
0xc3: {  	_ =	shalt  }
tec
execute0_lowered:
.L_overlay_start_1:
0x0: {  	(tag) =	ssettag $0x1  }
0x1: {  	s0 =	srdreg.scid  }
0x2: {  	s12 =	stileid.u32;
	s6 =	rddreg [dreg:$0x0]  }
0x3: {  	s1 =	rddreg [dreg:$0x1];
	s3 =	smul.u32 $0x4E20, s12  }
0x4: {  	s2 =	simm.s32 $0x0;
	s18 =	simm.s32 $0x1;
	s26 =	smul.u32 $0x9C4, s12  }
0x5: {  	s4 =	sand.u32 $0x1, s0;
	s0 =	rddreg [dreg:$0x2];
	s7 =	smul.u32 $0x2700, s12  }
0x6: {  	s19 =	simm.s32 $0x0;
	[smem:$0x7FF] =	sst s2;
	s8 =	smul.u32 $0x4E000, s12  }
0x7: {  	s13 =	sadd.s32 $0x95600, s6;
	s31 =	sshll.u32 s12, $0x6;
	s5 =	smul.u32 $0x4E200, s4  }
0x8: {  	s17 =	sadd.s32 $0x138000, s1;
	p0 =	sne.s32 s12, $0x0;
	s30 =	smul.u32 $0x138800, s4  }
0x9: {  	_ =	strace $0x8000004D;
	s28 =	ssub.s32 $0x2, s4;
	s16 =	smul.u32 $0x27100, s4  }
0xa: {  	s10 =	sadd.s32 s26, s6;
	s9 =	sadd.s32 s7, s6;
	s14 =	sshrl.u32 s28, $0x1  }
0xb: {  	s29 =	sshrl.u32 s8, $0x2;
	s3 =	sadd.s32 s3, s5;
	s14 =	ssub.s32 s28, s14  }
0xc: {  	s15 =	sadd.s32 s29, s1;
	s4 =	sadd.s32 $0x20200, s9;
	s5 =	sor.u32 $0x1C02, s31  }
0xd: {  	s8 =	sshrl.u32 s30, $0x3;
	s7 =	sadd.s32 s7, s16;
	s10 =	sadd.s32 $0x2A00, s10  }
0xe: {  	s16 =	simm.s32 $0x50;
	s3 =	sshrl.u32 s3, $0x3;
	s8 =	sadd.s32 s13, s8  }
0xf: {  	s7 =	sadd.s32 s13, s7;
	s9 =	smax.u32 s14, $0x1;
	s12 =	sshrl.u32 s15, $0x3  }
0x10: {  	s13 =	simm.s32 $0x2;
	s14 =	sshrl.u32 @!p0 s17, $0x3;
	s15 =	simm.s32 $0x80  }
0x11: {  	s17 =	simm.s32 $0x100;
	s11 =	sadd.s32 s3, s6;
	s3 =	sadd.s32 $0x47400, s6  }
0x12: {  	s6 =	sadd.s32 $0x47200, s6;
	s8 =	sadd.s32 $0x27000, s8;
	s11 =	sadd.s32 $0xC800, s11  }
.LBB2_1:
0x13: {  	[spmem:s12], [sflag:s5] =	dma.local [hbm:s4], $0x2700  }
0x14: {  	_ =	swait.ge [sflag:s13], $0x2700  }
0x15: {  	[sflag:s13] =	ssyncset.done $0x0  }
0x16: {  	s20 =	simm.s32 @!p0 $0x2;
	[sflag:s13] =	ssyncadd.s32 $0xFFFFD900  }
0x17: {  	[spmem:s14], [sflag:s5] =	dma.local @!p0 [hbm:s6], $0x100  }
0x18: {  	_ =	swait.ge @!p0 [sflag:s20], $0x100  }
0x19: {  	[sflag:s20] =	ssyncset.done @!p0 $0x0  }
0x1a: {  	[sflag:s20] =	ssyncadd.s32 @!p0 $0xFFFFFF00  }
0x1b: {  	s30 =	sadd.s32 $0x0, s11;
	[bflag:$0x0] =	sbarrier.arrive $0xFFFF  }
0x1c: {  	[tilespmem:s2], [sflag:$0x2] =	stream.linear.gather [hbm4b:s30+s2], $0x50, $0x38;
	[tilespmem:$0x16180] =	vst v63  }
0x1d: {  	_ =	swait.ge [sflag:s13], $0x50  }
0x1e: {  	[sflag:s13] =	ssyncset.done $0x0  }
0x1f: {  	s31 =	sadd.s32 $0x0, s10;
	[sflag:s13] =	ssyncadd.s32 $0xFFFFFFB0  }
0x20: {  	[tilespmem:s15], [sflag:$0x2] =	stream.linear.gather [hbm4b:s31+s2], $0x50, $0x38;
	[tilespmem:$0x16180] =	vst v63  }
0x21: {  	_ =	swait.ge [sflag:s13], $0x50  }
0x22: {  	[sflag:s13] =	ssyncset.done $0x0  }
0x23: {  	[sflag:s13] =	ssyncadd.s32 $0xFFFFFFB0  }
0x24: {  	[tilespmem:s17], [sflag:$0x1] =	stream.indirect.gather [hbm4b:s3+s16], $0x80, s2, s16, $0xb8;
	[tilespmem:$0x16180] =	vst v63  }
0x25: {  	_ =	swait.ge [sflag:s18], $0x2800  }
0x26: {  	[sflag:s18] =	ssyncset.done $0x0  }
0x27: {  	[sflag:s18] =	ssyncadd.s32 $0xFFFFD800  }
0x28: {  	[spmem:s1] =	stream.indirect.scatter.add.f32 [tilespmem:s17], [sflag:$0x2], $0x80, s15, s16, $0xb8;
	[tilespmem:$0x16180] =	vst v63  }
0x29: {  	_ =	swait.ge [sflag:s13], $0x2800  }
0x2a: {  	s21 =	simm.s32 $0x14;
	s20 =	simm.s32 $0xA;
	[sflag:s13] =	ssyncset.done $0x0  }
.LBB2_2:
0x2b: {  	s22 =	sadd.s32 s20, s11  }
0x2c: {  	[sflag:s13] =	ssyncadd.s32 $0xFFFFD800;
	s23 =	smov.u32 s21;
	s24 =	sadd.s32 $0xA, s21  }
0x2d: {  	[tilespmem:s2], [sflag:$0x2] =	stream.linear.gather [hbm4b:s22+s2], $0x50, $0x38;
	[tilespmem:$0x16180] =	vst v63  }
0x2e: {  	p1 =	sne.s32 s21, $0x9BA;
	_ =	swait.ge [sflag:s13], $0x50  }
0x2f: {  	[sflag:s13] =	ssyncset.done $0x0  }
0x30: {  	s21 =	sadd.s32 s20, s10;
	s20 =	smov.u32 s23;
	[sflag:s13] =	ssyncadd.s32 $0xFFFFFFB0  }
0x31: {  	[tilespmem:s15], [sflag:$0x2] =	stream.linear.gather [hbm4b:s21+s2], $0x50, $0x38;
	[tilespmem:$0x16180] =	vst v63  }
0x32: {  	_ =	swait.ge [sflag:s13], $0x50  }
0x33: {  	[sflag:s13] =	ssyncset.done $0x0  }
0x34: {  	[sflag:s13] =	ssyncadd.s32 $0xFFFFFFB0  }
0x35: {  	[tilespmem:s17], [sflag:$0x1] =	stream.indirect.gather [hbm4b:s3+s16], $0x80, s2, s16, $0xb8;
	[tilespmem:$0x16180] =	vst v63  }
0x36: {  	_ =	swait.ge [sflag:s18], $0x2800  }
.Ltmp0:
0x37: {  	[sflag:s18] =	ssyncset.done $0x0;
	(pc) =	sbr.rel @p1 .LBB2_2-.Ltmp0, $4  }
0x38: {  	[sflag:s18] =	ssyncadd.s32 $0xFFFFD800  }
0x39: {  	[spmem:s1] =	stream.indirect.scatter.add.f32 [tilespmem:s17], [sflag:$0x2], $0x80, s15, s16, $0xb8;
	[tilespmem:$0x16180] =	vst v63  }
0x3a: {  	_ =	swait.ge [sflag:s13], $0x2800  }
0x3b: {  	s21 =	smov.u32 s24;
	[sflag:s13] =	ssyncset.done $0x0  }
0x3c: {  	s21 =	sadd.s32 s20, s11;
	[sflag:s13] =	ssyncadd.s32 $0xFFFFD800  }
0x3d: {  	[tilespmem:s2], [sflag:$0x2] =	stream.linear.gather [hbm4b:s21+s2], $0x50, $0x38;
	[tilespmem:$0x16180] =	vst v63  }
0x3e: {  	_ =	swait.ge [sflag:s13], $0x50  }
0x3f: {  	[sflag:s13] =	ssyncset.done $0x0  }
0x40: {  	s31 =	sadd.s32 s20, s10;
	[sflag:s13] =	ssyncadd.s32 $0xFFFFFFB0  }
0x41: {  	[tilespmem:s15], [sflag:$0x2] =	stream.linear.gather [hbm4b:s31+s2], $0x50, $0x38;
	[tilespmem:$0x16180] =	vst v63  }
0x42: {  	_ =	swait.ge [sflag:s13], $0x50  }
0x43: {  	[sflag:s13] =	ssyncset.done $0x0  }
0x44: {  	[sflag:s13] =	ssyncadd.s32 $0xFFFFFFB0  }
0x45: {  	[tilespmem:s17], [sflag:$0x1] =	stream.indirect.gather [hbm4b:s3+s16], $0x80, s2, s16, $0xb8;
	[tilespmem:$0x16180] =	vst v63  }
0x46: {  	_ =	swait.ge [sflag:s18], $0x2800  }
0x47: {  	[sflag:s18] =	ssyncset.done $0x0  }
0x48: {  	[sflag:s18] =	ssyncadd.s32 $0xFFFFD800  }
0x49: {  	[spmem:s1] =	stream.indirect.scatter.add.f32 [tilespmem:s17], [sflag:$0x2], $0x80, s15, s16, $0xb8;
	[tilespmem:$0x16180] =	vst v63  }
0x4a: {  	_ =	swait.ge [sflag:s13], $0x2800  }
0x4b: {  	[sflag:s13] =	ssyncset.done $0x0  }
0x4c: {  	[sflag:s13] =	ssyncadd.s32 $0xFFFFD800  }
0x4d: {  	[bflag:$0x0] =	sbarrier.arrive $0xFFFF  }
0x4e: {  	[hbm:s7], [sflag:s5] =	dma.local [spmem:s12], $0x2700  }
0x4f: {  	s19 =	sadd.s32 $0x1, s19;
	_ =	swait.ge [sflag:s13], $0x2700  }
0x50: {  	p1 =	sne.s32 s19, s9;
	[sflag:s13] =	ssyncset.done $0x0  }
.Ltmp1:
0x51: {  	s20 =	simm.s32 @!p0 $0x2;
	[sflag:s13] =	ssyncadd.s32 $0xFFFFD900;
	(pc) =	sbr.rel @p1 .LBB2_1-.Ltmp1, $4  }
0x52: {  	[hbm:s8], [sflag:s5] =	dma.local @!p0 [spmem:s14], $0x100  }
0x53: {  	_ =	swait.ge @!p0 [sflag:s20], $0x100  }
0x54: {  	[sflag:s20] =	ssyncset.done @!p0 $0x0  }
0x55: {  	[sflag:s20] =	ssyncadd.s32 @!p0 $0xFFFFFF00  }
0x56: {  	_ =	sfence.sel $0x180000  }
0x57: {  	[bflag:$0x0] =	sbarrier.arrive $0xFFFF  }
0x58: {  	_ =	strace $0x9000004D  }
0x59: {  	s0 =	sadd.s32 @!p0 $0x100000, s0;
	[bflag:$0x2] =	sbarrier.arrive $0xFFFF  }
0x5a: {  	[sflag:s0] =	ssyncadd.tile.s32 @!p0 $0x1;
	_ =	shalt  }
.Lfunc_end2:
_tile_overlayer_lowered:
.L_overlay_start_2:
0x5b: {  	(tag) =	ssettag $0x2  }
0x5c: {  	s0 =	rddreg [dreg:$0x0];
	s2 =	stileid.u32  }
0x5d: {  	s1 =	rddreg [dreg:$0x1];
	p0 =	sne.s32 s2, $0x0  }
0x5e: {  	s3 =	rddreg [dreg:$0x2];
	[bflag:$0x3] =	sbarrier.arrive $0xFFFF;
	s2 =	simm.s32 @!p0 $0x1C02  }
0x5f: {  	[timem:s3], [sflag:s2] =	dma.local @!p0 [hbm:s0], s1  }
0x60: {  	s0 =	simm.s32 @!p0 $0x2  }
0x61: {  	_ =	swait.ge @!p0 [sflag:s0], s1  }
0x62: {  	s1 =	ssub.s32 @!p0 $0x0, s1;
	[sflag:s0] =	ssyncset.done @!p0 $0x0  }
0x63: {  	[sflag:s0] =	ssyncadd.s32 @!p0 s1  }
0x64: {  	[bflag:$0x3] =	sbarrier.arrive $0xFFFF  }
0x65: {  	_ =	shalt  }

// kernel: kernel.23.cloned.1.call-start
scs
__scs_entry_jumppad:
0x0: {  	(pc) =	sbr.rel $0x88, $3  }
0x1: {  	(tag) =	ssettag $0x0;
	lr =	simm.s32 $0x1  }
0x2: {  	[smem:$0x3F94] =	sst lr;
	_ =	strace $0xD0000000  }
0x3: {  	_ = 	snop  }
0x4: {  	_ = 	snop  }
0x5: {  	_ = 	snop  }
0x6: {  	_ = 	snop  }
0x7: {  	_ = 	snop  }
__scs_overlays_trampoline_lowered:
0x8: {  	[smem:$0x3FA3] =	sst s0  }
0x9: {  	[smem:$0x3FA4] =	sst s1  }
0xa: {  	[smem:$0x3FA5] =	sst s2  }
0xb: {  	[smem:$0x3FA6] =	sst s3  }
0xc: {  	[smem:$0x3FA7] =	sst s4  }
0xd: {  	[smem:$0x3FA8] =	sst s5  }
0xe: {  	[smem:$0x3FA9] =	sst s6  }
0xf: {  	[smem:$0x3FAA] =	sst s7  }
0x10: {  	[smem:$0x3FAB] =	sst s8  }
0x11: {  	[smem:$0x3FAC] =	sst s9;
	s0 =	simm.s32 @!p0 $0x0  }
0x12: {  	s1 =	sld [smem:$0x3F92];
	s0 =	simm.s32 @p0 $0x1  }
0x13: {  	[smem:$0x3FAD] =	sst s0;
	s0 =	simm.s32 @!p1 $0x0  }
0x14: {  	s2 =	sld [smem:$0x3F91];
	s0 =	simm.s32 @p1 $0x1  }
0x15: {  	[smem:$0x3FAE] =	sst s0;
	s0 =	simm.s32 @!p2 $0x0  }
0x16: {  	s3 =	sld [smem:$0x3FDB];
	s0 =	simm.s32 @p2 $0x1  }
0x17: {  	s4 =	simm.s32 $0x1BF5;
	[smem:$0x3FB0] =	sst s0  }
0x18: {  	s0 =	sld [smem:$0x3F93];
	_ =	swait.ge [sflag:s4], $0x0  }
0x19: {  	s7 =	sld [smem:$0x3F94]  }
0x1a: {  	s8 =	sadd.s32 $0xFFFFE003, lr  }
0x1b: {  	s9 =	sadd.s32 $0xFFFFFEF7, lr;
	s5 =	simm.s32 $0xFFFFFFFF;
	p2 =	slt.u32 s8, $0xFFFFF086  }
0x1c: {  	p1 =	slt.u32 s9, $0xF7A;
	s5 =	simm.s32 @!p2 $0x0  }
0x1d: {  	s5 =	simm.s32 @p1 $0x1;
	p0 =	seq.s32 s7, s2  }
0x1e: {  	s7 =	smul.u32 @!p0 $0xF7A, s2;
	p2 =	seq.s32 @!p0 s5, $0x0  }
0x1f: {  	s9 =	smul.u32 $0xF7A, s1;
	s8 =	simm.s32 @!p0 $0x1BF5;
	p2 =	por !p2, p0  }
0x20: {  	[sflag:s8] =	ssyncset.s32 @!p0 $0xFFFFF086;
	s6 =	sadd.s32 @!p0 s3, s7;
	s7 =	simm.s32 @!p0 $0x108  }
0x21: {  	s3 =	sadd.s32 s3, s9;
	s6 =	sadd.s32 @!p0 $0x88, s6;
	s7 =	simm.s32 @p2 $0x1082  }
0x22: {  	[simem:s7], [sflag:s8] =	dma.local @!p0 [hbm:s6], $0xF7A  }
0x23: {  	s9 =	sor.u32 $0xD0000000, s2;
	s6 =	simm.s32 $0x108;
	_ =	swait.ge @!p0 [sflag:s8], $0x0  }
0x24: {  	s3 =	sadd.s32 $0x88, s3;
	s6 =	simm.s32 @!p1 $0x1082;
	[sflag:s4] =	ssyncset.s32 $0xFFFFF086  }
0x25: {  	[simem:s6], [sflag:s4] =	dma.local [hbm:s3], $0xF7A  }
0x26: {  	[smem:$0x3F94] =	sst s1;
	(tag) =	ssettag s2;
	_ =	strace s9  }
0x27: {  	s1 =	sld [smem:$0x3FA4]  }
0x28: {  	s2 =	sld [smem:$0x3FA5]  }
0x29: {  	s4 =	sld [smem:$0x3FA7]  }
0x2a: {  	p0 =	seq.s32 s5, $0x0;
	s5 =	sld [smem:$0x3FA8]  }
0x2b: {  	s6 =	sld [smem:$0x3FA9]  }
0x2c: {  	s7 =	sld [smem:$0x3FAA]  }
0x2d: {  	s3 =	simm.s32 $0x108;
	s8 =	sld [smem:$0x3FAB]  }
0x2e: {  	s3 =	simm.s32 @!p0 $0x1082;
	s9 =	sld [smem:$0x3FAC]  }
0x2f: {  	lr =	sadd.s32 s0, s3;
	s0 =	sld [smem:$0x3FA3]  }
0x30: {  	s3 =	sld [smem:$0x3FA6]  }
0x31: {  	[smem:$0x3FAF] =	sst s10  }
0x32: {  	s10 =	sld [smem:$0x3FAD];
	_ =	sdelay $0x3  }
0x33: {  	p0 =	seq.s32 s10, $0x1;
	s10 =	sld [smem:$0x3FAF];
	_ =	sdelay $0x3  }
0x34: {  	[smem:$0x3FAF] =	sst s10  }
0x35: {  	s10 =	sld [smem:$0x3FAE];
	_ =	sdelay $0x3  }
0x36: {  	p1 =	seq.s32 s10, $0x1;
	s10 =	sld [smem:$0x3FAF];
	_ =	sdelay $0x3  }
0x37: {  	[smem:$0x3FAF] =	sst s10  }
0x38: {  	s10 =	sld [smem:$0x3FB0]  }
0x39: {  	_ = 	snop;
	(pc) =	sbr.ind lr, $3  }
0x3a: {  	_ = 	snop  }
0x3b: {  	_ = 	snop  }
0x3c: {  	p2 =	seq.s32 s10, $0x1;
	s10 =	sld [smem:$0x3FAF]  }
0x3d: {  	_ =	shalt  }
0x3e: {  	_ =	shalt  }
0x3f: {  	_ =	shalt  }
0x40: {  	_ =	shalt  }
0x41: {  	_ =	shalt  }
0x42: {  	_ =	shalt  }
0x43: {  	_ =	shalt  }
0x44: {  	_ =	shalt  }
0x45: {  	_ =	shalt  }
0x46: {  	_ =	shalt  }
0x47: {  	_ =	shalt  }
0x48: {  	_ =	shalt  }
0x49: {  	_ =	shalt  }
0x4a: {  	_ =	shalt  }
0x4b: {  	_ =	shalt  }
0x4c: {  	_ =	shalt  }
0x4d: {  	_ =	shalt  }
0x4e: {  	_ =	shalt  }
0x4f: {  	_ =	shalt  }
0x50: {  	_ =	shalt  }
0x51: {  	_ =	shalt  }
0x52: {  	_ =	shalt  }
0x53: {  	_ =	shalt  }
0x54: {  	_ =	shalt  }
0x55: {  	_ =	shalt  }
0x56: {  	_ =	shalt  }
0x57: {  	_ =	shalt  }
0x58: {  	_ =	shalt  }
0x59: {  	_ =	shalt  }
0x5a: {  	_ =	shalt  }
0x5b: {  	_ =	shalt  }
0x5c: {  	_ =	shalt  }
0x5d: {  	_ =	shalt  }
0x5e: {  	_ =	shalt  }
0x5f: {  	_ =	shalt  }
0x60: {  	_ =	shalt  }
0x61: {  	_ =	shalt  }
0x62: {  	_ =	shalt  }
0x63: {  	_ =	shalt  }
0x64: {  	_ =	shalt  }
0x65: {  	_ =	shalt  }
0x66: {  	_ =	shalt  }
0x67: {  	_ =	shalt  }
0x68: {  	_ =	shalt  }
0x69: {  	_ =	shalt  }
0x6a: {  	_ =	shalt  }
0x6b: {  	_ =	shalt  }
0x6c: {  	_ =	shalt  }
0x6d: {  	_ =	shalt  }
0x6e: {  	_ =	shalt  }
0x6f: {  	_ =	shalt  }
0x70: {  	_ =	shalt  }
0x71: {  	_ =	shalt  }
0x72: {  	_ =	shalt  }
0x73: {  	_ =	shalt  }
0x74: {  	_ =	shalt  }
0x75: {  	_ =	shalt  }
0x76: {  	_ =	shalt  }
0x77: {  	_ =	shalt  }
0x78: {  	_ =	shalt  }
0x79: {  	_ =	shalt  }
0x7a: {  	_ =	shalt  }
0x7b: {  	_ =	shalt  }
0x7c: {  	_ =	shalt  }
0x7d: {  	_ =	shalt  }
0x7e: {  	_ =	shalt  }
0x7f: {  	_ =	shalt  }
0x80: {  	_ =	shalt  }
0x81: {  	_ =	shalt  }
0x82: {  	_ =	shalt  }
0x83: {  	_ =	shalt  }
0x84: {  	_ =	shalt  }
0x85: {  	_ =	shalt  }
0x86: {  	_ =	shalt  }
0x87: {  	_ =	shalt  }
.Lfunc_end0:
.L_simem_size_0:
called_computation.3_lowered:
.L_overlay_start_0:
0x88: {  	s2 =	sld [smem:$0x3FD9]  }
0x89: {  	s3 =	sld [smem:$0x3FFE];
	_ =	sdelay $0x1  }
0x8a: {  	s1 =	srdreg.scid  }
0x8b: {  	s0 =	sand.u32 $0x1, s1  }
0x8c: {  	s16 =	sshll.u32 s0, $0xA;
	s2 =	sadd.s32 s3, s2  }
0x8d: {  	s2 =	sadd.s32 s2, s16  }
0x8e: {  	[smem:$0x3FBB] =	sst s2  }
0x8f: {  	_ = 	snop  }
0x90: {  	(tm) =	ssettm $0x1  }
0x91: {  	s17 =	sld [smem:$0x3FFB];
	_ =	sdelay $0x3  }
0x92: {  	_ =	strace s17  }
0x93: {  	s2 =	sld [smem:$0x3FFC];
	_ =	sdelay $0x3  }
0x94: {  	_ =	strace s2  }
0x95: {  	s2 =	sld [smem:$0x3FFD];
	_ =	sdelay $0x3  }
0x96: {  	_ =	strace s2  }
0x97: {  	_ =	strace $0x8FFFFFFF  }
0x98: {  	s18 =	sld [smem:$0x3FDB];
	_ =	sdelay $0x1  }
0x99: {  	s19 =	simm.s32 $_scs_section_size  }
0x9a: {  	s4 =	simm.s32 $_size__tile_overlayer_lowered;
	s5 =	simm.s32 $_tile_overlayer_lowered  }
0x9b: {  	s22 =	simm.s32 $0x1BFF;
	s21 =	sshll.u32 s5, $0x1;
	s2 =	sadd.s32 s19, s18  }
0x9c: {  	s6 =	simm.s32 $0x0;
	s20 =	sshll.u32 s4, $0x1;
	s4 =	sadd.s32 s21, s2  }
0x9d: {  	[timem:s6], [sflag:s22] =	dma.local [hbm:s4], s20  }
0x9e: {  	_ =	swait.ge [sflag:s22], s20  }
0x9f: {  	s3 =	ssub.s32 $0x0, s20;
	[sflag:s22] =	ssyncset.done $0x0  }
0xa0: {  	[sflag:s22] =	ssyncadd.s32 s3;
	_ =	sdelay $0x1  }
0xa1: {  	s23 =	simm.s32 $0x1B8B  }
0xa2: {  	_ =	swait.ge [sflag:s23], $0x1  }
0xa3: {  	[sflag:s23] =	ssyncset.done $0x0  }
0xa4: {  	s25 =	simm.s32 $0x1B8E;
	s24 =	sld [smem:$0x3FFE];
	[sflag:s23] =	ssyncadd.s32 $0xFFFFFFFF  }
0xa5: {  	s26 =	simm.s32 $execute0_lowered;
	[smem:$0x3FD2] =	sst s25  }
0xa6: {  	s4 =	sshll.u32 s26, $0x1;
	_ =	strace $0x8000004F;
	[dreg:$0x1] =	wrdreg $0xFFFFFFFF  }
0xa7: {  	s28 =	simm.s32 $_size_execute0_lowered;
	s2 =	sadd.s32 s2, s4;
	[dreg:$0x0] =	wrdreg $0x0  }
0xa8: {  	s4 =	sshll.u32 s28, $0x1;
	[dreg:$0x2] =	wrdreg s2  }
0xa9: {  	[dreg:$0x3] =	wrdreg s4  }
0xaa: {  	[dreg:$0x4] =	wrdreg $0xC0  }
0xab: {  	_ =	task [dreg:s6], $0x5FFFF  }
0xac: {  	[dreg:$0x1] =	wrdreg $0xFFFFFFFF  }
0xad: {  	[dreg:$0x0] =	wrdreg $0x60  }
0xae: {  	[dreg:$0x2] =	wrdreg s24  }
0xaf: {  	[dreg:$0x3] =	wrdreg $0x29000  }
0xb0: {  	[dreg:$0x4] =	wrdreg $0x9  }
0xb1: {  	_ =	task.clear_ibuf [dreg:s6], $0x5FFFF;
	_ =	strace $0x9000004F  }
0xb2: {  	s29 =	simm.s32 $0x9;
	_ =	strace $0x80000051  }
0xb3: {  	_ =	swait.ge [sflag:s29], $0x1  }
0xb4: {  	[sflag:s29] =	ssyncadd.s32 $0xFFFFFFFF  }
0xb5: {  	_ =	strace $0x90000051  }
0xb6: {  	_ =	sfence  }
0xb7: {  	s30 =	sld [smem:$0x0];
	_ =	sdelay $0x2  }
0xb8: {  	s31 =	sshll.u32 s1, $0xD;
	s1 =	sshrl.u32 s1, $0x2  }
0xb9: {  	s3 =	sand.u32 $0x4000, s31;
	s1 =	sadd.s32 s1, s30  }
0xba: {  	s0 =	sor.u32 s3, s0;
	s1 =	sshll.u32 s1, $0x11  }
0xbb: {  	s0 =	sor.u32 s1, s0  }
0xbc: {  	s0 =	sadd.s32 $0x8F2B, s0  }
0xbd: {  	[sflag:s0] =	ssyncadd.remote.s32 $0x1  }
0xbe: {  	_ =	sfence.sel $0xFFFF  }
0xbf: {  	[dreg:$0x0] =	wrdreg $0xFFFFFFFF;
	(pc) =	sbr.abs _section_cstart, $3  }
0xc0: {  	[dreg:$0x1] =	wrdreg $0xFFFFFFFF  }
0xc1: {  	_ =	task.clear_ibuf [dreg:s6], $0x2FFFF;
	_ =	strace $0x9FFFFFFF  }
0xc2: {  	(tm) =	ssettm $0x7FFFFFFF  }
0xc3: {  	_ =	shalt  }
tec
execute0_lowered:
.L_overlay_start_1:
0x0: {  	(tag) =	ssettag $0x1  }
0x1: {  	s0 =	srdreg.scid  }
0x2: {  	s12 =	stileid.u32;
	s6 =	rddreg [dreg:$0x0]  }
0x3: {  	s1 =	rddreg [dreg:$0x1];
	s3 =	smul.u32 $0x4E20, s12  }
0x4: {  	s2 =	simm.s32 $0x0;
	s18 =	simm.s32 $0x1;
	s26 =	smul.u32 $0x9C4, s12  }
0x5: {  	s4 =	sand.u32 $0x1, s0;
	s0 =	rddreg [dreg:$0x2];
	s7 =	smul.u32 $0x2700, s12  }
0x6: {  	s19 =	simm.s32 $0x0;
	[smem:$0x7FF] =	sst s2;
	s8 =	smul.u32 $0x4E000, s12  }
0x7: {  	s13 =	sadd.s32 $0x95600, s6;
	s31 =	sshll.u32 s12, $0x6;
	s5 =	smul.u32 $0x4E200, s4  }
0x8: {  	s17 =	sadd.s32 $0x138000, s1;
	p0 =	sne.s32 s12, $0x0;
	s30 =	smul.u32 $0x138800, s4  }
0x9: {  	_ =	strace $0x80000050;
	s28 =	ssub.s32 $0x2, s4;
	s16 =	smul.u32 $0x27100, s4  }
0xa: {  	s10 =	sadd.s32 s26, s6;
	s9 =	sadd.s32 s7, s6;
	s14 =	sshrl.u32 s28, $0x1  }
0xb: {  	s29 =	sshrl.u32 s8, $0x2;
	s3 =	sadd.s32 s3, s5;
	s14 =	ssub.s32 s28, s14  }
0xc: {  	s15 =	sadd.s32 s29, s1;
	s4 =	sadd.s32 $0x20200, s9;
	s5 =	sor.u32 $0x1C02, s31  }
0xd: {  	s8 =	sshrl.u32 s30, $0x3;
	s7 =	sadd.s32 s7, s16;
	s10 =	sadd.s32 $0x2A00, s10  }
0xe: {  	s16 =	simm.s32 $0x50;
	s3 =	sshrl.u32 s3, $0x3;
	s8 =	sadd.s32 s13, s8  }
0xf: {  	s7 =	sadd.s32 s13, s7;
	s9 =	smax.u32 s14, $0x1;
	s12 =	sshrl.u32 s15, $0x3  }
0x10: {  	s13 =	simm.s32 $0x2;
	s14 =	sshrl.u32 @!p0 s17, $0x3;
	s15 =	simm.s32 $0x80  }
0x11: {  	s17 =	simm.s32 $0x100;
	s11 =	sadd.s32 s3, s6;
	s3 =	sadd.s32 $0x47400, s6  }
0x12: {  	s6 =	sadd.s32 $0x47200, s6;
	s8 =	sadd.s32 $0x27000, s8;
	s11 =	sadd.s32 $0xC800, s11  }
.LBB2_1:
0x13: {  	[spmem:s12], [sflag:s5] =	dma.local [hbm:s4], $0x2700  }
0x14: {  	_ =	swait.ge [sflag:s13], $0x2700  }
0x15: {  	[sflag:s13] =	ssyncset.done $0x0  }
0x16: {  	s20 =	simm.s32 @!p0 $0x2;
	[sflag:s13] =	ssyncadd.s32 $0xFFFFD900  }
0x17: {  	[spmem:s14], [sflag:s5] =	dma.local @!p0 [hbm:s6], $0x100  }
0x18: {  	_ =	swait.ge @!p0 [sflag:s20], $0x100  }
0x19: {  	[sflag:s20] =	ssyncset.done @!p0 $0x0  }
0x1a: {  	[sflag:s20] =	ssyncadd.s32 @!p0 $0xFFFFFF00  }
0x1b: {  	s30 =	sadd.s32 $0x0, s11;
	[bflag:$0x0] =	sbarrier.arrive $0xFFFF  }
0x1c: {  	[tilespmem:s2], [sflag:$0x2] =	stream.linear.gather [hbm4b:s30+s2], $0x50, $0x38;
	[tilespmem:$0x16180] =	vst v63  }
0x1d: {  	_ =	swait.ge [sflag:s13], $0x50  }
0x1e: {  	[sflag:s13] =	ssyncset.done $0x0  }
0x1f: {  	s31 =	sadd.s32 $0x0, s10;
	[sflag:s13] =	ssyncadd.s32 $0xFFFFFFB0  }
0x20: {  	[tilespmem:s15], [sflag:$0x2] =	stream.linear.gather [hbm4b:s31+s2], $0x50, $0x38;
	[tilespmem:$0x16180] =	vst v63  }
0x21: {  	_ =	swait.ge [sflag:s13], $0x50  }
0x22: {  	[sflag:s13] =	ssyncset.done $0x0  }
0x23: {  	[sflag:s13] =	ssyncadd.s32 $0xFFFFFFB0  }
0x24: {  	[tilespmem:s17], [sflag:$0x1] =	stream.indirect.gather [hbm4b:s3+s16], $0x80, s2, s16, $0xb8;
	[tilespmem:$0x16180] =	vst v63  }
0x25: {  	_ =	swait.ge [sflag:s18], $0x2800  }
0x26: {  	[sflag:s18] =	ssyncset.done $0x0  }
0x27: {  	[sflag:s18] =	ssyncadd.s32 $0xFFFFD800  }
0x28: {  	[spmem:s1] =	stream.indirect.scatter.add.f32 [tilespmem:s17], [sflag:$0x2], $0x80, s15, s16, $0xb8;
	[tilespmem:$0x16180] =	vst v63  }
0x29: {  	_ =	swait.ge [sflag:s13], $0x2800  }
0x2a: {  	s21 =	simm.s32 $0x14;
	s20 =	simm.s32 $0xA;
	[sflag:s13] =	ssyncset.done $0x0  }
.LBB2_2:
0x2b: {  	s22 =	sadd.s32 s20, s11  }
0x2c: {  	[sflag:s13] =	ssyncadd.s32 $0xFFFFD800;
	s23 =	smov.u32 s21;
	s24 =	sadd.s32 $0xA, s21  }
0x2d: {  	[tilespmem:s2], [sflag:$0x2] =	stream.linear.gather [hbm4b:s22+s2], $0x50, $0x38;
	[tilespmem:$0x16180] =	vst v63  }
0x2e: {  	p1 =	sne.s32 s21, $0x9BA;
	_ =	swait.ge [sflag:s13], $0x50  }
0x2f: {  	[sflag:s13] =	ssyncset.done $0x0  }
0x30: {  	s21 =	sadd.s32 s20, s10;
	s20 =	smov.u32 s23;
	[sflag:s13] =	ssyncadd.s32 $0xFFFFFFB0  }
0x31: {  	[tilespmem:s15], [sflag:$0x2] =	stream.linear.gather [hbm4b:s21+s2], $0x50, $0x38;
	[tilespmem:$0x16180] =	vst v63  }
0x32: {  	_ =	swait.ge [sflag:s13], $0x50  }
0x33: {  	[sflag:s13] =	ssyncset.done $0x0  }
0x34: {  	[sflag:s13] =	ssyncadd.s32 $0xFFFFFFB0  }
0x35: {  	[tilespmem:s17], [sflag:$0x1] =	stream.indirect.gather [hbm4b:s3+s16], $0x80, s2, s16, $0xb8;
	[tilespmem:$0x16180] =	vst v63  }
0x36: {  	_ =	swait.ge [sflag:s18], $0x2800  }
.Ltmp0:
0x37: {  	[sflag:s18] =	ssyncset.done $0x0;
	(pc) =	sbr.rel @p1 .LBB2_2-.Ltmp0, $4  }
0x38: {  	[sflag:s18] =	ssyncadd.s32 $0xFFFFD800  }
0x39: {  	[spmem:s1] =	stream.indirect.scatter.add.f32 [tilespmem:s17], [sflag:$0x2], $0x80, s15, s16, $0xb8;
	[tilespmem:$0x16180] =	vst v63  }
0x3a: {  	_ =	swait.ge [sflag:s13], $0x2800  }
0x3b: {  	s21 =	smov.u32 s24;
	[sflag:s13] =	ssyncset.done $0x0  }
0x3c: {  	s21 =	sadd.s32 s20, s11;
	[sflag:s13] =	ssyncadd.s32 $0xFFFFD800  }
0x3d: {  	[tilespmem:s2], [sflag:$0x2] =	stream.linear.gather [hbm4b:s21+s2], $0x50, $0x38;
	[tilespmem:$0x16180] =	vst v63  }
0x3e: {  	_ =	swait.ge [sflag:s13], $0x50  }
0x3f: {  	[sflag:s13] =	ssyncset.done $0x0  }
0x40: {  	s31 =	sadd.s32 s20, s10;
	[sflag:s13] =	ssyncadd.s32 $0xFFFFFFB0  }
0x41: {  	[tilespmem:s15], [sflag:$0x2] =	stream.linear.gather [hbm4b:s31+s2], $0x50, $0x38;
	[tilespmem:$0x16180] =	vst v63  }
0x42: {  	_ =	swait.ge [sflag:s13], $0x50  }
0x43: {  	[sflag:s13] =	ssyncset.done $0x0  }
0x44: {  	[sflag:s13] =	ssyncadd.s32 $0xFFFFFFB0  }
0x45: {  	[tilespmem:s17], [sflag:$0x1] =	stream.indirect.gather [hbm4b:s3+s16], $0x80, s2, s16, $0xb8;
	[tilespmem:$0x16180] =	vst v63  }
0x46: {  	_ =	swait.ge [sflag:s18], $0x2800  }
0x47: {  	[sflag:s18] =	ssyncset.done $0x0  }
0x48: {  	[sflag:s18] =	ssyncadd.s32 $0xFFFFD800  }
0x49: {  	[spmem:s1] =	stream.indirect.scatter.add.f32 [tilespmem:s17], [sflag:$0x2], $0x80, s15, s16, $0xb8;
	[tilespmem:$0x16180] =	vst v63  }
0x4a: {  	_ =	swait.ge [sflag:s13], $0x2800  }
0x4b: {  	[sflag:s13] =	ssyncset.done $0x0  }
0x4c: {  	[sflag:s13] =	ssyncadd.s32 $0xFFFFD800  }
0x4d: {  	[bflag:$0x0] =	sbarrier.arrive $0xFFFF  }
0x4e: {  	[hbm:s7], [sflag:s5] =	dma.local [spmem:s12], $0x2700  }
0x4f: {  	s19 =	sadd.s32 $0x1, s19;
	_ =	swait.ge [sflag:s13], $0x2700  }
0x50: {  	p1 =	sne.s32 s19, s9;
	[sflag:s13] =	ssyncset.done $0x0  }
.Ltmp1:
0x51: {  	s20 =	simm.s32 @!p0 $0x2;
	[sflag:s13] =	ssyncadd.s32 $0xFFFFD900;
	(pc) =	sbr.rel @p1 .LBB2_1-.Ltmp1, $4  }
0x52: {  	[hbm:s8], [sflag:s5] =	dma.local @!p0 [spmem:s14], $0x100  }
0x53: {  	_ =	swait.ge @!p0 [sflag:s20], $0x100  }
0x54: {  	[sflag:s20] =	ssyncset.done @!p0 $0x0  }
0x55: {  	[sflag:s20] =	ssyncadd.s32 @!p0 $0xFFFFFF00  }
0x56: {  	_ =	sfence.sel $0x180000  }
0x57: {  	[bflag:$0x0] =	sbarrier.arrive $0xFFFF  }
0x58: {  	_ =	strace $0x90000050  }
0x59: {  	s0 =	sadd.s32 @!p0 $0x100000, s0;
	[bflag:$0x2] =	sbarrier.arrive $0xFFFF  }
0x5a: {  	[sflag:s0] =	ssyncadd.tile.s32 @!p0 $0x1;
	_ =	shalt  }
.Lfunc_end2:
_tile_overlayer_lowered:
.L_overlay_start_2:
0x5b: {  	(tag) =	ssettag $0x2  }
0x5c: {  	s0 =	rddreg [dreg:$0x0];
	s2 =	stileid.u32  }
0x5d: {  	s1 =	rddreg [dreg:$0x1];
	p0 =	sne.s32 s2, $0x0  }
0x5e: {  	s3 =	rddreg [dreg:$0x2];
	[bflag:$0x3] =	sbarrier.arrive $0xFFFF;
	s2 =	simm.s32 @!p0 $0x1C02  }
0x5f: {  	[timem:s3], [sflag:s2] =	dma.local @!p0 [hbm:s0], s1  }
0x60: {  	s0 =	simm.s32 @!p0 $0x2  }
0x61: {  	_ =	swait.ge @!p0 [sflag:s0], s1  }
0x62: {  	s1 =	ssub.s32 @!p0 $0x0, s1;
	[sflag:s0] =	ssyncset.done @!p0 $0x0  }
0x63: {  	[sflag:s0] =	ssyncadd.s32 @!p0 s1  }
0x64: {  	[bflag:$0x3] =	sbarrier.arrive $0xFFFF  }
0x65: {  	_ =	shalt  }

</sc_bundles>
